<compile_context>
chip_gen: v7x
topology: tpu7x:2x2x1
jax: 0.10.2.dev20260603
libtpu: 0.0.44.dev20260713+nightly
codegen_flags: <defaults>
</compile_context>

<pallas_src>
import functools

import jax
import jax.numpy as jnp
from jax import lax
from jax.experimental import pallas as pl
from jax.experimental.pallas import tpu as pltpu
from jax.experimental.pallas import tpu_sc as plsc

_NC = 2
_NS = 16
_L = 16


@functools.lru_cache(maxsize=None)
def _build(V, D, B, S):
    NW = _NC * _NS
    CHP = S // NW
    BPW = B * CHP

    assert S % NW == 0 and CHP % _L == 0 and D % _L == 0 and CHP <= 128

    mesh = plsc.VectorSubcoreMesh(core_axis_name="c", subcore_axis_name="s")

    @functools.partial(
        pl.kernel,
        mesh=mesh,
        out_type=jax.ShapeDtypeStruct((B, S, D), jnp.float32),
        scratch_types=(
            [pltpu.VMEM((B, CHP), jnp.int32),
             pltpu.VMEM((CHP, D), jnp.float32),
             pltpu.VMEM((BPW, D), jnp.float32)]
            + [pltpu.SemaphoreType.DMA] * (2 * B + 3)
        ),
    )
    def embed(idx_hbm, tok_hbm, pos_hbm, out_hbm, idx_v, pos_v, rows_v,
              *sems):
        gsems = sems[:2 * B]
        p0sem, p1sem, isem = sems[2 * B], sems[2 * B + 1], sems[2 * B + 2]
        wid = lax.axis_index("s") * _NC + lax.axis_index("c")
        p0 = wid * CHP

        icopies = [
            pltpu.async_copy(idx_hbm.at[bb, pl.ds(p0, CHP)], idx_v.at[bb],
                             isem)
            for bb in range(B)
        ]
        pre1 = pltpu.async_copy(pos_hbm.at[pl.ds(p0, CHP)], pos_v, p1sem)
        pre0 = pltpu.async_copy(pos_hbm.at[pl.ds(p0, CHP)],
                                rows_v.at[pl.ds(0, CHP)], p0sem)
        for ic in icopies:
            ic.wait()

        def rep_for(boff):
            def rep(r, c):
                for k in range(D // _L):
                    sl = pl.ds(k * _L, _L)
                    rows_v[boff + 2 * r, sl] = pos_v[2 * r, sl]
                    rows_v[boff + 2 * r + 1, sl] = pos_v[2 * r + 1, sl]
                return c
            return rep

        HF = CHP // 2

        def fire_ga(bb):
            return [
                pltpu.async_copy(
                    tok_hbm.at[idx_v.at[bb].at[pl.ds(h * HF, HF)]],
                    rows_v.at[pl.ds(bb * CHP + h * HF, HF)],
                    gsems[2 * bb + h], add=True)
                for h in range(2)
            ]

        pre1.wait()
        lax.fori_loop(0, CHP // 2, rep_for(CHP), 0)
        pre0.wait()
        gathers = fire_ga(0) + fire_ga(1)
        for bb in range(2, B):
            lax.fori_loop(0, CHP // 2, rep_for(bb * CHP), 0)
            gathers += fire_ga(bb)
        stores = []
        for g in range(2 * B):
            gathers[g].wait()
            bb, h = g // 2, g % 2
            stores.append(
                pltpu.async_copy(rows_v.at[pl.ds(bb * CHP + h * HF, HF)],
                                 out_hbm.at[bb, pl.ds(p0 + h * HF, HF)],
                                 isem))
        for st in stores:
            st.wait()

    return embed


def kernel(x, token_table, pos_table):
    B, S = x.shape
    V, D = token_table.shape
    return _build(V, D, B, S)(x.astype(jnp.int32), token_table, pos_table)

# --- scband reference (transcript-rebuilt; emitter-appended) ---
"""Pipeline reference for scband-transformer-embedding-936302870573 (READ-ONLY COPY).

The authoritative reference and input builder live on the scoring server;
editing this copy changes nothing except your own understanding.
"""

import jax, jax.numpy as jnp
import numpy as np

VOCAB = 100000
D = 128
B = 4
S = 2048

def setup_inputs(seed: int = 0) -> dict:
    key = jax.random.key(seed)
    k1, k2, k3 = jax.random.split(key, 3)
    x = jax.random.randint(k1, (B, S), 0, VOCAB, dtype=jnp.int64)
    token_table = jax.random.normal(k2, (VOCAB, D), dtype=jnp.float32) * 0.02
    pos_table = jax.random.normal(k3, (S, D), dtype=jnp.float32) * 0.02
    return {"x": x, "token_table": token_table, "pos_table": pos_table}

def reference(x, token_table, pos_table):
    # token_embed: embedding gather
    tok = jnp.take(token_table, x, axis=0)  # [B, S, D]
    # pos_embed: learned positional embedding added to token embeddings
    out = tok + pos_table[None, :, :]
    # dropout=0 -> identity
    return out

if __name__ == "__main__":
    import jax
    _d = setup_inputs()
    print(jax.jit(kernel)(*tuple(_d.values())))

</pallas_src>

<mosaic_0001>
#map = affine_map<(d0, d1) -> (0, 0)>
#map1 = affine_map<(d0, d1) -> (0, 0, 0)>
module attributes {stable_mosaic.version = 14 : i64} {
  func.func @embed(%arg0: i32, %arg1: i32, %arg2: memref<4x2048xi32, #tpu.memory_space<hbm>>, %arg3: memref<100000x128xf32, #tpu.memory_space<hbm>>, %arg4: memref<2048x128xf32, #tpu.memory_space<hbm>>, %arg5: memref<4x2048x128xf32, #tpu.memory_space<hbm>>, %arg6: memref<4x64xi32, #tpu.memory_space<vmem>>, %arg7: memref<64x128xf32, #tpu.memory_space<vmem>>, %arg8: memref<256x128xf32, #tpu.memory_space<vmem>>, %arg9: memref<!tpu.dma_semaphore, #tpu.memory_space<semaphore_mem>>, %arg10: memref<!tpu.dma_semaphore, #tpu.memory_space<semaphore_mem>>, %arg11: memref<!tpu.dma_semaphore, #tpu.memory_space<semaphore_mem>>, %arg12: memref<!tpu.dma_semaphore, #tpu.memory_space<semaphore_mem>>, %arg13: memref<!tpu.dma_semaphore, #tpu.memory_space<semaphore_mem>>, %arg14: memref<!tpu.dma_semaphore, #tpu.memory_space<semaphore_mem>>, %arg15: memref<!tpu.dma_semaphore, #tpu.memory_space<semaphore_mem>>, %arg16: memref<!tpu.dma_semaphore, #tpu.memory_space<semaphore_mem>>, %arg17: memref<!tpu.dma_semaphore, #tpu.memory_space<semaphore_mem>>, %arg18: memref<!tpu.dma_semaphore, #tpu.memory_space<semaphore_mem>>, %arg19: memref<!tpu.dma_semaphore, #tpu.memory_space<semaphore_mem>>) attributes {dimension_semantics = [#tpu.dimension_semantics<core_parallel>, #tpu.dimension_semantics<subcore_parallel>], iteration_bounds = array<i64: 2, 16>, scalar_prefetch = 0 : i64, scratch_operands = 14 : i64, tpu.core_type = #tpu.core_type<sc_vector_subcore>, window_params = [{transform_indices = #map}, {transform_indices = #map}, {transform_indices = #map}, {transform_indices = #map1}]} {
    %mul3A = arith.constant 2 : i32
    %mul3A_0 = arith.muli %arg1, %mul3A : i32
    %add3A = arith.addi %mul3A_0, %arg0 : i32
    %mul3A_1 = arith.constant 64 : i32
    %mul3A_2 = arith.muli %add3A, %mul3A_1 : i32
    %dma_start3A = arith.constant 0 : i32
    %dma_start3A_3 = arith.constant 0 : i32
    %dma_start3A_4 = arith.constant 0 : i32
    %dma_start3A_5 = tpu.memref_slice %arg6[%dma_start3A_3, %dma_start3A_4] : memref<4x64xi32, #tpu.memory_space<vmem>> -> memref<1x64xi32, #tpu.memory_space<vmem>>
    %dma_start3A_6 = tpu.memref_squeeze %dma_start3A_5 : memref<1x64xi32, #tpu.memory_space<vmem>> -> memref<64xi32, #tpu.memory_space<vmem>>
    %dma_start3A_7 = tpu.memref_slice %arg2[%dma_start3A, %mul3A_2] : memref<4x2048xi32, #tpu.memory_space<hbm>> -> memref<1x64xi32, #tpu.memory_space<hbm>>
    %dma_start3A_8 = tpu.memref_squeeze %dma_start3A_7 : memref<1x64xi32, #tpu.memory_space<hbm>> -> memref<64xi32, #tpu.memory_space<hbm>>
    %dma_start3A_9 = arith.constant 0 : i32
    %dma_start3A_10 = tpu.memref_slice %arg6[%dma_start3A_3, %dma_start3A_9] : memref<4x64xi32, #tpu.memory_space<vmem>> -> memref<1x64xi32, #tpu.memory_space<vmem>>
    %dma_start3A_11 = tpu.memref_squeeze %dma_start3A_10 : memref<1x64xi32, #tpu.memory_space<vmem>> -> memref<64xi32, #tpu.memory_space<vmem>>
    %dma_start3A_12 = tpu.memref_slice %arg2[%dma_start3A, %mul3A_2] : memref<4x2048xi32, #tpu.memory_space<hbm>> -> memref<1x64xi32, #tpu.memory_space<hbm>>
    %dma_start3A_13 = tpu.memref_squeeze %dma_start3A_12 : memref<1x64xi32, #tpu.memory_space<hbm>> -> memref<64xi32, #tpu.memory_space<hbm>>
    tpu.enqueue_dma source(%dma_start3A_13 : memref<64xi32, #tpu.memory_space<hbm>>) target(%dma_start3A_11 : memref<64xi32, #tpu.memory_space<vmem>>) target_semaphore(%arg19 : memref<!tpu.dma_semaphore, #tpu.memory_space<semaphore_mem>>)
    %dma_start3A_14 = arith.constant 1 : i32
    %dma_start3A_15 = arith.constant 1 : i32
    %dma_start3A_16 = arith.constant 0 : i32
    %dma_start3A_17 = tpu.memref_slice %arg6[%dma_start3A_15, %dma_start3A_16] : memref<4x64xi32, #tpu.memory_space<vmem>> -> memref<1x64xi32, #tpu.memory_space<vmem>>
    %dma_start3A_18 = tpu.memref_squeeze %dma_start3A_17 : memref<1x64xi32, #tpu.memory_space<vmem>> -> memref<64xi32, #tpu.memory_space<vmem>>
    %dma_start3A_19 = tpu.memref_slice %arg2[%dma_start3A_14, %mul3A_2] : memref<4x2048xi32, #tpu.memory_space<hbm>> -> memref<1x64xi32, #tpu.memory_space<hbm>>
    %dma_start3A_20 = tpu.memref_squeeze %dma_start3A_19 : memref<1x64xi32, #tpu.memory_space<hbm>> -> memref<64xi32, #tpu.memory_space<hbm>>
    %dma_start3A_21 = arith.constant 0 : i32
    %dma_start3A_22 = tpu.memref_slice %arg6[%dma_start3A_15, %dma_start3A_21] : memref<4x64xi32, #tpu.memory_space<vmem>> -> memref<1x64xi32, #tpu.memory_space<vmem>>
    %dma_start3A_23 = tpu.memref_squeeze %dma_start3A_22 : memref<1x64xi32, #tpu.memory_space<vmem>> -> memref<64xi32, #tpu.memory_space<vmem>>
    %dma_start3A_24 = tpu.memref_slice %arg2[%dma_start3A_14, %mul3A_2] : memref<4x2048xi32, #tpu.memory_space<hbm>> -> memref<1x64xi32, #tpu.memory_space<hbm>>
    %dma_start3A_25 = tpu.memref_squeeze %dma_start3A_24 : memref<1x64xi32, #tpu.memory_space<hbm>> -> memref<64xi32, #tpu.memory_space<hbm>>
    tpu.enqueue_dma source(%dma_start3A_25 : memref<64xi32, #tpu.memory_space<hbm>>) target(%dma_start3A_23 : memref<64xi32, #tpu.memory_space<vmem>>) target_semaphore(%arg19 : memref<!tpu.dma_semaphore, #tpu.memory_space<semaphore_mem>>)
    %dma_start3A_26 = arith.constant 2 : i32
    %dma_start3A_27 = arith.constant 2 : i32
    %dma_start3A_28 = arith.constant 0 : i32
    %dma_start3A_29 = tpu.memref_slice %arg6[%dma_start3A_27, %dma_start3A_28] : memref<4x64xi32, #tpu.memory_space<vmem>> -> memref<1x64xi32, #tpu.memory_space<vmem>>
    %dma_start3A_30 = tpu.memref_squeeze %dma_start3A_29 : memref<1x64xi32, #tpu.memory_space<vmem>> -> memref<64xi32, #tpu.memory_space<vmem>>
    %dma_start3A_31 = tpu.memref_slice %arg2[%dma_start3A_26, %mul3A_2] : memref<4x2048xi32, #tpu.memory_space<hbm>> -> memref<1x64xi32, #tpu.memory_space<hbm>>
    %dma_start3A_32 = tpu.memref_squeeze %dma_start3A_31 : memref<1x64xi32, #tpu.memory_space<hbm>> -> memref<64xi32, #tpu.memory_space<hbm>>
    %dma_start3A_33 = arith.constant 0 : i32
    %dma_start3A_34 = tpu.memref_slice %arg6[%dma_start3A_27, %dma_start3A_33] : memref<4x64xi32, #tpu.memory_space<vmem>> -> memref<1x64xi32, #tpu.memory_space<vmem>>
    %dma_start3A_35 = tpu.memref_squeeze %dma_start3A_34 : memref<1x64xi32, #tpu.memory_space<vmem>> -> memref<64xi32, #tpu.memory_space<vmem>>
    %dma_start3A_36 = tpu.memref_slice %arg2[%dma_start3A_26, %mul3A_2] : memref<4x2048xi32, #tpu.memory_space<hbm>> -> memref<1x64xi32, #tpu.memory_space<hbm>>
    %dma_start3A_37 = tpu.memref_squeeze %dma_start3A_36 : memref<1x64xi32, #tpu.memory_space<hbm>> -> memref<64xi32, #tpu.memory_space<hbm>>
    tpu.enqueue_dma source(%dma_start3A_37 : memref<64xi32, #tpu.memory_space<hbm>>) target(%dma_start3A_35 : memref<64xi32, #tpu.memory_space<vmem>>) target_semaphore(%arg19 : memref<!tpu.dma_semaphore, #tpu.memory_space<semaphore_mem>>)
    %dma_start3A_38 = arith.constant 3 : i32
    %dma_start3A_39 = arith.constant 3 : i32
    %dma_start3A_40 = arith.constant 0 : i32
    %dma_start3A_41 = tpu.memref_slice %arg6[%dma_start3A_39, %dma_start3A_40] : memref<4x64xi32, #tpu.memory_space<vmem>> -> memref<1x64xi32, #tpu.memory_space<vmem>>
    %dma_start3A_42 = tpu.memref_squeeze %dma_start3A_41 : memref<1x64xi32, #tpu.memory_space<vmem>> -> memref<64xi32, #tpu.memory_space<vmem>>
    %dma_start3A_43 = tpu.memref_slice %arg2[%dma_start3A_38, %mul3A_2] : memref<4x2048xi32, #tpu.memory_space<hbm>> -> memref<1x64xi32, #tpu.memory_space<hbm>>
    %dma_start3A_44 = tpu.memref_squeeze %dma_start3A_43 : memref<1x64xi32, #tpu.memory_space<hbm>> -> memref<64xi32, #tpu.memory_space<hbm>>
    %dma_start3A_45 = arith.constant 0 : i32
    %dma_start3A_46 = tpu.memref_slice %arg6[%dma_start3A_39, %dma_start3A_45] : memref<4x64xi32, #tpu.memory_space<vmem>> -> memref<1x64xi32, #tpu.memory_space<vmem>>
    %dma_start3A_47 = tpu.memref_squeeze %dma_start3A_46 : memref<1x64xi32, #tpu.memory_space<vmem>> -> memref<64xi32, #tpu.memory_space<vmem>>
    %dma_start3A_48 = tpu.memref_slice %arg2[%dma_start3A_38, %mul3A_2] : memref<4x2048xi32, #tpu.memory_space<hbm>> -> memref<1x64xi32, #tpu.memory_space<hbm>>
    %dma_start3A_49 = tpu.memref_squeeze %dma_start3A_48 : memref<1x64xi32, #tpu.memory_space<hbm>> -> memref<64xi32, #tpu.memory_space<hbm>>
    tpu.enqueue_dma source(%dma_start3A_49 : memref<64xi32, #tpu.memory_space<hbm>>) target(%dma_start3A_47 : memref<64xi32, #tpu.memory_space<vmem>>) target_semaphore(%arg19 : memref<!tpu.dma_semaphore, #tpu.memory_space<semaphore_mem>>)
    %dma_start3A_50 = arith.constant 0 : i32
    %dma_start3A_51 = tpu.memref_slice %arg4[%mul3A_2, %dma_start3A_50] : memref<2048x128xf32, #tpu.memory_space<hbm>> -> memref<64x128xf32, #tpu.memory_space<hbm>>
    %dma_start3A_52 = arith.constant 0 : i32
    %dma_start3A_53 = tpu.memref_slice %arg4[%mul3A_2, %dma_start3A_52] : memref<2048x128xf32, #tpu.memory_space<hbm>> -> memref<64x128xf32, #tpu.memory_space<hbm>>
    tpu.enqueue_dma source(%dma_start3A_53 : memref<64x128xf32, #tpu.memory_space<hbm>>) target(%arg7 : memref<64x128xf32, #tpu.memory_space<vmem>>) target_semaphore(%arg18 : memref<!tpu.dma_semaphore, #tpu.memory_space<semaphore_mem>>)
    %dma_start3A_54 = arith.constant 0 : i32
    %dma_start3A_55 = arith.constant 0 : i32
    %dma_start3A_56 = tpu.memref_slice %arg8[%dma_start3A_54, %dma_start3A_55] : memref<256x128xf32, #tpu.memory_space<vmem>> -> memref<64x128xf32, #tpu.memory_space<vmem>>
    %dma_start3A_57 = arith.constant 0 : i32
    %dma_start3A_58 = tpu.memref_slice %arg4[%mul3A_2, %dma_start3A_57] : memref<2048x128xf32, #tpu.memory_space<hbm>> -> memref<64x128xf32, #tpu.memory_space<hbm>>
    %dma_start3A_59 = arith.constant 0 : i32
    %dma_start3A_60 = arith.constant 0 : i32
    %dma_start3A_61 = tpu.memref_slice %arg8[%dma_start3A_59, %dma_start3A_60] : memref<256x128xf32, #tpu.memory_space<vmem>> -> memref<64x128xf32, #tpu.memory_space<vmem>>
    %dma_start3A_62 = arith.constant 0 : i32
    %dma_start3A_63 = tpu.memref_slice %arg4[%mul3A_2, %dma_start3A_62] : memref<2048x128xf32, #tpu.memory_space<hbm>> -> memref<64x128xf32, #tpu.memory_space<hbm>>
    tpu.enqueue_dma source(%dma_start3A_63 : memref<64x128xf32, #tpu.memory_space<hbm>>) target(%dma_start3A_61 : memref<64x128xf32, #tpu.memory_space<vmem>>) target_semaphore(%arg17 : memref<!tpu.dma_semaphore, #tpu.memory_space<semaphore_mem>>)
    %dma_wait3A = arith.constant 0 : i32
    %dma_wait3A_64 = arith.constant 0 : i32
    %dma_wait3A_65 = arith.constant 0 : i32
    %dma_wait3A_66 = tpu.memref_slice %arg6[%dma_wait3A_64, %dma_wait3A_65] : memref<4x64xi32, #tpu.memory_space<vmem>> -> memref<1x64xi32, #tpu.memory_space<vmem>>
    %dma_wait3A_67 = tpu.memref_squeeze %dma_wait3A_66 : memref<1x64xi32, #tpu.memory_space<vmem>> -> memref<64xi32, #tpu.memory_space<vmem>>
    %dma_wait3A_68 = tpu.memref_slice %arg2[%dma_wait3A, %mul3A_2] : memref<4x2048xi32, #tpu.memory_space<hbm>> -> memref<1x64xi32, #tpu.memory_space<hbm>>
    %dma_wait3A_69 = tpu.memref_squeeze %dma_wait3A_68 : memref<1x64xi32, #tpu.memory_space<hbm>> -> memref<64xi32, #tpu.memory_space<hbm>>
    %dma_wait3A_70 = arith.constant 0 : i32
    %dma_wait3A_71 = tpu.memref_slice %arg6[%dma_wait3A_64, %dma_wait3A_70] : memref<4x64xi32, #tpu.memory_space<vmem>> -> memref<1x64xi32, #tpu.memory_space<vmem>>
    %dma_wait3A_72 = tpu.memref_squeeze %dma_wait3A_71 : memref<1x64xi32, #tpu.memory_space<vmem>> -> memref<64xi32, #tpu.memory_space<vmem>>
    %dma_wait3A_73 = tpu.memref_slice %arg2[%dma_wait3A, %mul3A_2] : memref<4x2048xi32, #tpu.memory_space<hbm>> -> memref<1x64xi32, #tpu.memory_space<hbm>>
    %dma_wait3A_74 = tpu.memref_squeeze %dma_wait3A_73 : memref<1x64xi32, #tpu.memory_space<hbm>> -> memref<64xi32, #tpu.memory_space<hbm>>
    tpu.wait_dma2 semaphore(%arg19 : memref<!tpu.dma_semaphore, #tpu.memory_space<semaphore_mem>>) src(%dma_wait3A_74 : memref<64xi32, #tpu.memory_space<hbm>>) dst(%dma_wait3A_72 : memref<64xi32, #tpu.memory_space<vmem>>)
    %dma_wait3A_75 = arith.constant 1 : i32
    %dma_wait3A_76 = arith.constant 1 : i32
    %dma_wait3A_77 = arith.constant 0 : i32
    %dma_wait3A_78 = tpu.memref_slice %arg6[%dma_wait3A_76, %dma_wait3A_77] : memref<4x64xi32, #tpu.memory_space<vmem>> -> memref<1x64xi32, #tpu.memory_space<vmem>>
    %dma_wait3A_79 = tpu.memref_squeeze %dma_wait3A_78 : memref<1x64xi32, #tpu.memory_space<vmem>> -> memref<64xi32, #tpu.memory_space<vmem>>
    %dma_wait3A_80 = tpu.memref_slice %arg2[%dma_wait3A_75, %mul3A_2] : memref<4x2048xi32, #tpu.memory_space<hbm>> -> memref<1x64xi32, #tpu.memory_space<hbm>>
    %dma_wait3A_81 = tpu.memref_squeeze %dma_wait3A_80 : memref<1x64xi32, #tpu.memory_space<hbm>> -> memref<64xi32, #tpu.memory_space<hbm>>
    %dma_wait3A_82 = arith.constant 0 : i32
    %dma_wait3A_83 = tpu.memref_slice %arg6[%dma_wait3A_76, %dma_wait3A_82] : memref<4x64xi32, #tpu.memory_space<vmem>> -> memref<1x64xi32, #tpu.memory_space<vmem>>
    %dma_wait3A_84 = tpu.memref_squeeze %dma_wait3A_83 : memref<1x64xi32, #tpu.memory_space<vmem>> -> memref<64xi32, #tpu.memory_space<vmem>>
    %dma_wait3A_85 = tpu.memref_slice %arg2[%dma_wait3A_75, %mul3A_2] : memref<4x2048xi32, #tpu.memory_space<hbm>> -> memref<1x64xi32, #tpu.memory_space<hbm>>
    %dma_wait3A_86 = tpu.memref_squeeze %dma_wait3A_85 : memref<1x64xi32, #tpu.memory_space<hbm>> -> memref<64xi32, #tpu.memory_space<hbm>>
    tpu.wait_dma2 semaphore(%arg19 : memref<!tpu.dma_semaphore, #tpu.memory_space<semaphore_mem>>) src(%dma_wait3A_86 : memref<64xi32, #tpu.memory_space<hbm>>) dst(%dma_wait3A_84 : memref<64xi32, #tpu.memory_space<vmem>>)
    %dma_wait3A_87 = arith.constant 2 : i32
    %dma_wait3A_88 = arith.constant 2 : i32
    %dma_wait3A_89 = arith.constant 0 : i32
    %dma_wait3A_90 = tpu.memref_slice %arg6[%dma_wait3A_88, %dma_wait3A_89] : memref<4x64xi32, #tpu.memory_space<vmem>> -> memref<1x64xi32, #tpu.memory_space<vmem>>
    %dma_wait3A_91 = tpu.memref_squeeze %dma_wait3A_90 : memref<1x64xi32, #tpu.memory_space<vmem>> -> memref<64xi32, #tpu.memory_space<vmem>>
    %dma_wait3A_92 = tpu.memref_slice %arg2[%dma_wait3A_87, %mul3A_2] : memref<4x2048xi32, #tpu.memory_space<hbm>> -> memref<1x64xi32, #tpu.memory_space<hbm>>
    %dma_wait3A_93 = tpu.memref_squeeze %dma_wait3A_92 : memref<1x64xi32, #tpu.memory_space<hbm>> -> memref<64xi32, #tpu.memory_space<hbm>>
    %dma_wait3A_94 = arith.constant 0 : i32
    %dma_wait3A_95 = tpu.memref_slice %arg6[%dma_wait3A_88, %dma_wait3A_94] : memref<4x64xi32, #tpu.memory_space<vmem>> -> memref<1x64xi32, #tpu.memory_space<vmem>>
    %dma_wait3A_96 = tpu.memref_squeeze %dma_wait3A_95 : memref<1x64xi32, #tpu.memory_space<vmem>> -> memref<64xi32, #tpu.memory_space<vmem>>
    %dma_wait3A_97 = tpu.memref_slice %arg2[%dma_wait3A_87, %mul3A_2] : memref<4x2048xi32, #tpu.memory_space<hbm>> -> memref<1x64xi32, #tpu.memory_space<hbm>>
    %dma_wait3A_98 = tpu.memref_squeeze %dma_wait3A_97 : memref<1x64xi32, #tpu.memory_space<hbm>> -> memref<64xi32, #tpu.memory_space<hbm>>
    tpu.wait_dma2 semaphore(%arg19 : memref<!tpu.dma_semaphore, #tpu.memory_space<semaphore_mem>>) src(%dma_wait3A_98 : memref<64xi32, #tpu.memory_space<hbm>>) dst(%dma_wait3A_96 : memref<64xi32, #tpu.memory_space<vmem>>)
    %dma_wait3A_99 = arith.constant 3 : i32
    %dma_wait3A_100 = arith.constant 3 : i32
    %dma_wait3A_101 = arith.constant 0 : i32
    %dma_wait3A_102 = tpu.memref_slice %arg6[%dma_wait3A_100, %dma_wait3A_101] : memref<4x64xi32, #tpu.memory_space<vmem>> -> memref<1x64xi32, #tpu.memory_space<vmem>>
    %dma_wait3A_103 = tpu.memref_squeeze %dma_wait3A_102 : memref<1x64xi32, #tpu.memory_space<vmem>> -> memref<64xi32, #tpu.memory_space<vmem>>
    %dma_wait3A_104 = tpu.memref_slice %arg2[%dma_wait3A_99, %mul3A_2] : memref<4x2048xi32, #tpu.memory_space<hbm>> -> memref<1x64xi32, #tpu.memory_space<hbm>>
    %dma_wait3A_105 = tpu.memref_squeeze %dma_wait3A_104 : memref<1x64xi32, #tpu.memory_space<hbm>> -> memref<64xi32, #tpu.memory_space<hbm>>
    %dma_wait3A_106 = arith.constant 0 : i32
    %dma_wait3A_107 = tpu.memref_slice %arg6[%dma_wait3A_100, %dma_wait3A_106] : memref<4x64xi32, #tpu.memory_space<vmem>> -> memref<1x64xi32, #tpu.memory_space<vmem>>
    %dma_wait3A_108 = tpu.memref_squeeze %dma_wait3A_107 : memref<1x64xi32, #tpu.memory_space<vmem>> -> memref<64xi32, #tpu.memory_space<vmem>>
    %dma_wait3A_109 = tpu.memref_slice %arg2[%dma_wait3A_99, %mul3A_2] : memref<4x2048xi32, #tpu.memory_space<hbm>> -> memref<1x64xi32, #tpu.memory_space<hbm>>
    %dma_wait3A_110 = tpu.memref_squeeze %dma_wait3A_109 : memref<1x64xi32, #tpu.memory_space<hbm>> -> memref<64xi32, #tpu.memory_space<hbm>>
    tpu.wait_dma2 semaphore(%arg19 : memref<!tpu.dma_semaphore, #tpu.memory_space<semaphore_mem>>) src(%dma_wait3A_110 : memref<64xi32, #tpu.memory_space<hbm>>) dst(%dma_wait3A_108 : memref<64xi32, #tpu.memory_space<vmem>>)
    %dma_wait3A_111 = arith.constant 0 : i32
    %dma_wait3A_112 = tpu.memref_slice %arg4[%mul3A_2, %dma_wait3A_111] : memref<2048x128xf32, #tpu.memory_space<hbm>> -> memref<64x128xf32, #tpu.memory_space<hbm>>
    %dma_wait3A_113 = arith.constant 0 : i32
    %dma_wait3A_114 = tpu.memref_slice %arg4[%mul3A_2, %dma_wait3A_113] : memref<2048x128xf32, #tpu.memory_space<hbm>> -> memref<64x128xf32, #tpu.memory_space<hbm>>
    tpu.wait_dma2 semaphore(%arg18 : memref<!tpu.dma_semaphore, #tpu.memory_space<semaphore_mem>>) src(%dma_wait3A_114 : memref<64x128xf32, #tpu.memory_space<hbm>>) dst(%arg7 : memref<64x128xf32, #tpu.memory_space<vmem>>)
    %scan3A = arith.constant 0 : i32
    %scan3A_115 = arith.constant 0 : i32
    %scan3A_116 = arith.constant 32 : i32
    %scan3A_117 = arith.addi %scan3A_115, %scan3A_116 : i32
    %scan3A_118 = arith.constant 1 : i32
    scf.for %scan3A_558 = %scan3A_115 to %scan3A_117 step %scan3A_118  : i32 {
      %mul3A_559 = arith.constant 2 : i32
      %mul3A_560 = arith.muli %mul3A_559, %scan3A_558 : i32
      %get3A = arith.index_cast %mul3A_560 : i32 to index
      %get3A_561 = arith.constant 0 : index
      %get3A_562 = tpu.vector_load %arg7[%get3A, %get3A_561] {strides = array<i32>} : memref<64x128xf32, #tpu.memory_space<vmem>>, vector<1x16xf32>,
      %get3A_563 = vector.shape_cast %get3A_562 : vector<1x16xf32> to vector<16xf32>
      %mul3A_564 = arith.constant 2 : i32
      %mul3A_565 = arith.muli %mul3A_564, %scan3A_558 : i32
      %add3A_566 = arith.constant 64 : i32
      %add3A_567 = arith.addi %add3A_566, %mul3A_565 : i32
      %swap3A = arith.index_cast %add3A_567 : i32 to index
      %swap3A_568 = arith.constant 0 : index
      %swap3A_569 = tpu.vector_load %arg8[%swap3A, %swap3A_568] {strides = array<i32>} : memref<256x128xf32, #tpu.memory_space<vmem>>, vector<1x16xf32>,
      %swap3A_570 = vector.shape_cast %swap3A_569 : vector<1x16xf32> to vector<16xf32>
      %swap3A_571 = vector.shape_cast %get3A_563 : vector<16xf32> to vector<1x16xf32>
      tpu.vector_store %arg8[%swap3A, %swap3A_568], %swap3A_571 {strides = array<i32>} : memref<256x128xf32, #tpu.memory_space<vmem>>, vector<1x16xf32>,
      %mul3A_572 = arith.constant 2 : i32
      %mul3A_573 = arith.muli %mul3A_572, %scan3A_558 : i32
      %add3A_574 = arith.constant 1 : i32
      %add3A_575 = arith.addi %mul3A_573, %add3A_574 : i32
      %get3A_576 = arith.index_cast %add3A_575 : i32 to index
      %get3A_577 = arith.constant 0 : index
      %get3A_578 = tpu.vector_load %arg7[%get3A_576, %get3A_577] {strides = array<i32>} : memref<64x128xf32, #tpu.memory_space<vmem>>, vector<1x16xf32>,
      %get3A_579 = vector.shape_cast %get3A_578 : vector<1x16xf32> to vector<16xf32>
      %mul3A_580 = arith.constant 2 : i32
      %mul3A_581 = arith.muli %mul3A_580, %scan3A_558 : i32
      %add3A_582 = arith.constant 64 : i32
      %add3A_583 = arith.addi %add3A_582, %mul3A_581 : i32
      %add3A_584 = arith.constant 1 : i32
      %add3A_585 = arith.addi %add3A_583, %add3A_584 : i32
      %swap3A_586 = arith.index_cast %add3A_585 : i32 to index
      %swap3A_587 = arith.constant 0 : index
      %swap3A_588 = tpu.vector_load %arg8[%swap3A_586, %swap3A_587] {strides = array<i32>} : memref<256x128xf32, #tpu.memory_space<vmem>>, vector<1x16xf32>,
      %swap3A_589 = vector.shape_cast %swap3A_588 : vector<1x16xf32> to vector<16xf32>
      %swap3A_590 = vector.shape_cast %get3A_579 : vector<16xf32> to vector<1x16xf32>
      tpu.vector_store %arg8[%swap3A_586, %swap3A_587], %swap3A_590 {strides = array<i32>} : memref<256x128xf32, #tpu.memory_space<vmem>>, vector<1x16xf32>,
      %mul3A_591 = arith.constant 2 : i32
      %mul3A_592 = arith.muli %mul3A_591, %scan3A_558 : i32
      %get3A_593 = arith.index_cast %mul3A_592 : i32 to index
      %get3A_594 = arith.constant 16 : index
      %get3A_595 = tpu.vector_load %arg7[%get3A_593, %get3A_594] {strides = array<i32>} : memref<64x128xf32, #tpu.memory_space<vmem>>, vector<1x16xf32>,
      %get3A_596 = vector.shape_cast %get3A_595 : vector<1x16xf32> to vector<16xf32>
      %mul3A_597 = arith.constant 2 : i32
      %mul3A_598 = arith.muli %mul3A_597, %scan3A_558 : i32
      %add3A_599 = arith.constant 64 : i32
      %add3A_600 = arith.addi %add3A_599, %mul3A_598 : i32
      %swap3A_601 = arith.index_cast %add3A_600 : i32 to index
      %swap3A_602 = arith.constant 16 : index
      %swap3A_603 = tpu.vector_load %arg8[%swap3A_601, %swap3A_602] {strides = array<i32>} : memref<256x128xf32, #tpu.memory_space<vmem>>, vector<1x16xf32>,
      %swap3A_604 = vector.shape_cast %swap3A_603 : vector<1x16xf32> to vector<16xf32>
      %swap3A_605 = vector.shape_cast %get3A_596 : vector<16xf32> to vector<1x16xf32>
      tpu.vector_store %arg8[%swap3A_601, %swap3A_602], %swap3A_605 {strides = array<i32>} : memref<256x128xf32, #tpu.memory_space<vmem>>, vector<1x16xf32>,
      %mul3A_606 = arith.constant 2 : i32
      %mul3A_607 = arith.muli %mul3A_606, %scan3A_558 : i32
      %add3A_608 = arith.constant 1 : i32
      %add3A_609 = arith.addi %mul3A_607, %add3A_608 : i32
      %get3A_610 = arith.index_cast %add3A_609 : i32 to index
      %get3A_611 = arith.constant 16 : index
      %get3A_612 = tpu.vector_load %arg7[%get3A_610, %get3A_611] {strides = array<i32>} : memref<64x128xf32, #tpu.memory_space<vmem>>, vector<1x16xf32>,
      %get3A_613 = vector.shape_cast %get3A_612 : vector<1x16xf32> to vector<16xf32>
      %mul3A_614 = arith.constant 2 : i32
      %mul3A_615 = arith.muli %mul3A_614, %scan3A_558 : i32
      %add3A_616 = arith.constant 64 : i32
      %add3A_617 = arith.addi %add3A_616, %mul3A_615 : i32
      %add3A_618 = arith.constant 1 : i32
      %add3A_619 = arith.addi %add3A_617, %add3A_618 : i32
      %swap3A_620 = arith.index_cast %add3A_619 : i32 to index
      %swap3A_621 = arith.constant 16 : index
      %swap3A_622 = tpu.vector_load %arg8[%swap3A_620, %swap3A_621] {strides = array<i32>} : memref<256x128xf32, #tpu.memory_space<vmem>>, vector<1x16xf32>,
      %swap3A_623 = vector.shape_cast %swap3A_622 : vector<1x16xf32> to vector<16xf32>
      %swap3A_624 = vector.shape_cast %get3A_613 : vector<16xf32> to vector<1x16xf32>
      tpu.vector_store %arg8[%swap3A_620, %swap3A_621], %swap3A_624 {strides = array<i32>} : memref<256x128xf32, #tpu.memory_space<vmem>>, vector<1x16xf32>,
      %mul3A_625 = arith.constant 2 : i32
      %mul3A_626 = arith.muli %mul3A_625, %scan3A_558 : i32
      %get3A_627 = arith.index_cast %mul3A_626 : i32 to index
      %get3A_628 = arith.constant 32 : index
      %get3A_629 = tpu.vector_load %arg7[%get3A_627, %get3A_628] {strides = array<i32>} : memref<64x128xf32, #tpu.memory_space<vmem>>, vector<1x16xf32>,
      %get3A_630 = vector.shape_cast %get3A_629 : vector<1x16xf32> to vector<16xf32>
      %mul3A_631 = arith.constant 2 : i32
      %mul3A_632 = arith.muli %mul3A_631, %scan3A_558 : i32
      %add3A_633 = arith.constant 64 : i32
      %add3A_634 = arith.addi %add3A_633, %mul3A_632 : i32
      %swap3A_635 = arith.index_cast %add3A_634 : i32 to index
      %swap3A_636 = arith.constant 32 : index
      %swap3A_637 = tpu.vector_load %arg8[%swap3A_635, %swap3A_636] {strides = array<i32>} : memref<256x128xf32, #tpu.memory_space<vmem>>, vector<1x16xf32>,
      %swap3A_638 = vector.shape_cast %swap3A_637 : vector<1x16xf32> to vector<16xf32>
      %swap3A_639 = vector.shape_cast %get3A_630 : vector<16xf32> to vector<1x16xf32>
      tpu.vector_store %arg8[%swap3A_635, %swap3A_636], %swap3A_639 {strides = array<i32>} : memref<256x128xf32, #tpu.memory_space<vmem>>, vector<1x16xf32>,
      %mul3A_640 = arith.constant 2 : i32
      %mul3A_641 = arith.muli %mul3A_640, %scan3A_558 : i32
      %add3A_642 = arith.constant 1 : i32
      %add3A_643 = arith.addi %mul3A_641, %add3A_642 : i32
      %get3A_644 = arith.index_cast %add3A_643 : i32 to index
      %get3A_645 = arith.constant 32 : index
      %get3A_646 = tpu.vector_load %arg7[%get3A_644, %get3A_645] {strides = array<i32>} : memref<64x128xf32, #tpu.memory_space<vmem>>, vector<1x16xf32>,
      %get3A_647 = vector.shape_cast %get3A_646 : vector<1x16xf32> to vector<16xf32>
      %mul3A_648 = arith.constant 2 : i32
      %mul3A_649 = arith.muli %mul3A_648, %scan3A_558 : i32
      %add3A_650 = arith.constant 64 : i32
      %add3A_651 = arith.addi %add3A_650, %mul3A_649 : i32
      %add3A_652 = arith.constant 1 : i32
      %add3A_653 = arith.addi %add3A_651, %add3A_652 : i32
      %swap3A_654 = arith.index_cast %add3A_653 : i32 to index
      %swap3A_655 = arith.constant 32 : index
      %swap3A_656 = tpu.vector_load %arg8[%swap3A_654, %swap3A_655] {strides = array<i32>} : memref<256x128xf32, #tpu.memory_space<vmem>>, vector<1x16xf32>,
      %swap3A_657 = vector.shape_cast %swap3A_656 : vector<1x16xf32> to vector<16xf32>
      %swap3A_658 = vector.shape_cast %get3A_647 : vector<16xf32> to vector<1x16xf32>
      tpu.vector_store %arg8[%swap3A_654, %swap3A_655], %swap3A_658 {strides = array<i32>} : memref<256x128xf32, #tpu.memory_space<vmem>>, vector<1x16xf32>,
      %mul3A_659 = arith.constant 2 : i32
      %mul3A_660 = arith.muli %mul3A_659, %scan3A_558 : i32
      %get3A_661 = arith.index_cast %mul3A_660 : i32 to index
      %get3A_662 = arith.constant 48 : index
      %get3A_663 = tpu.vector_load %arg7[%get3A_661, %get3A_662] {strides = array<i32>} : memref<64x128xf32, #tpu.memory_space<vmem>>, vector<1x16xf32>,
      %get3A_664 = vector.shape_cast %get3A_663 : vector<1x16xf32> to vector<16xf32>
      %mul3A_665 = arith.constant 2 : i32
      %mul3A_666 = arith.muli %mul3A_665, %scan3A_558 : i32
      %add3A_667 = arith.constant 64 : i32
      %add3A_668 = arith.addi %add3A_667, %mul3A_666 : i32
      %swap3A_669 = arith.index_cast %add3A_668 : i32 to index
      %swap3A_670 = arith.constant 48 : index
      %swap3A_671 = tpu.vector_load %arg8[%swap3A_669, %swap3A_670] {strides = array<i32>} : memref<256x128xf32, #tpu.memory_space<vmem>>, vector<1x16xf32>,
      %swap3A_672 = vector.shape_cast %swap3A_671 : vector<1x16xf32> to vector<16xf32>
      %swap3A_673 = vector.shape_cast %get3A_664 : vector<16xf32> to vector<1x16xf32>
      tpu.vector_store %arg8[%swap3A_669, %swap3A_670], %swap3A_673 {strides = array<i32>} : memref<256x128xf32, #tpu.memory_space<vmem>>, vector<1x16xf32>,
      %mul3A_674 = arith.constant 2 : i32
      %mul3A_675 = arith.muli %mul3A_674, %scan3A_558 : i32
      %add3A_676 = arith.constant 1 : i32
      %add3A_677 = arith.addi %mul3A_675, %add3A_676 : i32
      %get3A_678 = arith.index_cast %add3A_677 : i32 to index
      %get3A_679 = arith.constant 48 : index
      %get3A_680 = tpu.vector_load %arg7[%get3A_678, %get3A_679] {strides = array<i32>} : memref<64x128xf32, #tpu.memory_space<vmem>>, vector<1x16xf32>,
      %get3A_681 = vector.shape_cast %get3A_680 : vector<1x16xf32> to vector<16xf32>
      %mul3A_682 = arith.constant 2 : i32
      %mul3A_683 = arith.muli %mul3A_682, %scan3A_558 : i32
      %add3A_684 = arith.constant 64 : i32
      %add3A_685 = arith.addi %add3A_684, %mul3A_683 : i32
      %add3A_686 = arith.constant 1 : i32
      %add3A_687 = arith.addi %add3A_685, %add3A_686 : i32
      %swap3A_688 = arith.index_cast %add3A_687 : i32 to index
      %swap3A_689 = arith.constant 48 : index
      %swap3A_690 = tpu.vector_load %arg8[%swap3A_688, %swap3A_689] {strides = array<i32>} : memref<256x128xf32, #tpu.memory_space<vmem>>, vector<1x16xf32>,
      %swap3A_691 = vector.shape_cast %swap3A_690 : vector<1x16xf32> to vector<16xf32>
      %swap3A_692 = vector.shape_cast %get3A_681 : vector<16xf32> to vector<1x16xf32>
      tpu.vector_store %arg8[%swap3A_688, %swap3A_689], %swap3A_692 {strides = array<i32>} : memref<256x128xf32, #tpu.memory_space<vmem>>, vector<1x16xf32>,
      %mul3A_693 = arith.constant 2 : i32
      %mul3A_694 = arith.muli %mul3A_693, %scan3A_558 : i32
      %get3A_695 = arith.index_cast %mul3A_694 : i32 to index
      %get3A_696 = arith.constant 64 : index
      %get3A_697 = tpu.vector_load %arg7[%get3A_695, %get3A_696] {strides = array<i32>} : memref<64x128xf32, #tpu.memory_space<vmem>>, vector<1x16xf32>,
      %get3A_698 = vector.shape_cast %get3A_697 : vector<1x16xf32> to vector<16xf32>
      %mul3A_699 = arith.constant 2 : i32
      %mul3A_700 = arith.muli %mul3A_699, %scan3A_558 : i32
      %add3A_701 = arith.constant 64 : i32
      %add3A_702 = arith.addi %add3A_701, %mul3A_700 : i32
      %swap3A_703 = arith.index_cast %add3A_702 : i32 to index
      %swap3A_704 = arith.constant 64 : index
      %swap3A_705 = tpu.vector_load %arg8[%swap3A_703, %swap3A_704] {strides = array<i32>} : memref<256x128xf32, #tpu.memory_space<vmem>>, vector<1x16xf32>,
      %swap3A_706 = vector.shape_cast %swap3A_705 : vector<1x16xf32> to vector<16xf32>
      %swap3A_707 = vector.shape_cast %get3A_698 : vector<16xf32> to vector<1x16xf32>
      tpu.vector_store %arg8[%swap3A_703, %swap3A_704], %swap3A_707 {strides = array<i32>} : memref<256x128xf32, #tpu.memory_space<vmem>>, vector<1x16xf32>,
      %mul3A_708 = arith.constant 2 : i32
      %mul3A_709 = arith.muli %mul3A_708, %scan3A_558 : i32
      %add3A_710 = arith.constant 1 : i32
      %add3A_711 = arith.addi %mul3A_709, %add3A_710 : i32
      %get3A_712 = arith.index_cast %add3A_711 : i32 to index
      %get3A_713 = arith.constant 64 : index
      %get3A_714 = tpu.vector_load %arg7[%get3A_712, %get3A_713] {strides = array<i32>} : memref<64x128xf32, #tpu.memory_space<vmem>>, vector<1x16xf32>,
      %get3A_715 = vector.shape_cast %get3A_714 : vector<1x16xf32> to vector<16xf32>
      %mul3A_716 = arith.constant 2 : i32
      %mul3A_717 = arith.muli %mul3A_716, %scan3A_558 : i32
      %add3A_718 = arith.constant 64 : i32
      %add3A_719 = arith.addi %add3A_718, %mul3A_717 : i32
      %add3A_720 = arith.constant 1 : i32
      %add3A_721 = arith.addi %add3A_719, %add3A_720 : i32
      %swap3A_722 = arith.index_cast %add3A_721 : i32 to index
      %swap3A_723 = arith.constant 64 : index
      %swap3A_724 = tpu.vector_load %arg8[%swap3A_722, %swap3A_723] {strides = array<i32>} : memref<256x128xf32, #tpu.memory_space<vmem>>, vector<1x16xf32>,
      %swap3A_725 = vector.shape_cast %swap3A_724 : vector<1x16xf32> to vector<16xf32>
      %swap3A_726 = vector.shape_cast %get3A_715 : vector<16xf32> to vector<1x16xf32>
      tpu.vector_store %arg8[%swap3A_722, %swap3A_723], %swap3A_726 {strides = array<i32>} : memref<256x128xf32, #tpu.memory_space<vmem>>, vector<1x16xf32>,
      %mul3A_727 = arith.constant 2 : i32
      %mul3A_728 = arith.muli %mul3A_727, %scan3A_558 : i32
      %get3A_729 = arith.index_cast %mul3A_728 : i32 to index
      %get3A_730 = arith.constant 80 : index
      %get3A_731 = tpu.vector_load %arg7[%get3A_729, %get3A_730] {strides = array<i32>} : memref<64x128xf32, #tpu.memory_space<vmem>>, vector<1x16xf32>,
      %get3A_732 = vector.shape_cast %get3A_731 : vector<1x16xf32> to vector<16xf32>
      %mul3A_733 = arith.constant 2 : i32
      %mul3A_734 = arith.muli %mul3A_733, %scan3A_558 : i32
      %add3A_735 = arith.constant 64 : i32
      %add3A_736 = arith.addi %add3A_735, %mul3A_734 : i32
      %swap3A_737 = arith.index_cast %add3A_736 : i32 to index
      %swap3A_738 = arith.constant 80 : index
      %swap3A_739 = tpu.vector_load %arg8[%swap3A_737, %swap3A_738] {strides = array<i32>} : memref<256x128xf32, #tpu.memory_space<vmem>>, vector<1x16xf32>,
      %swap3A_740 = vector.shape_cast %swap3A_739 : vector<1x16xf32> to vector<16xf32>
      %swap3A_741 = vector.shape_cast %get3A_732 : vector<16xf32> to vector<1x16xf32>
      tpu.vector_store %arg8[%swap3A_737, %swap3A_738], %swap3A_741 {strides = array<i32>} : memref<256x128xf32, #tpu.memory_space<vmem>>, vector<1x16xf32>,
      %mul3A_742 = arith.constant 2 : i32
      %mul3A_743 = arith.muli %mul3A_742, %scan3A_558 : i32
      %add3A_744 = arith.constant 1 : i32
      %add3A_745 = arith.addi %mul3A_743, %add3A_744 : i32
      %get3A_746 = arith.index_cast %add3A_745 : i32 to index
      %get3A_747 = arith.constant 80 : index
      %get3A_748 = tpu.vector_load %arg7[%get3A_746, %get3A_747] {strides = array<i32>} : memref<64x128xf32, #tpu.memory_space<vmem>>, vector<1x16xf32>,
      %get3A_749 = vector.shape_cast %get3A_748 : vector<1x16xf32> to vector<16xf32>
      %mul3A_750 = arith.constant 2 : i32
      %mul3A_751 = arith.muli %mul3A_750, %scan3A_558 : i32
      %add3A_752 = arith.constant 64 : i32
      %add3A_753 = arith.addi %add3A_752, %mul3A_751 : i32
      %add3A_754 = arith.constant 1 : i32
      %add3A_755 = arith.addi %add3A_753, %add3A_754 : i32
      %swap3A_756 = arith.index_cast %add3A_755 : i32 to index
      %swap3A_757 = arith.constant 80 : index
      %swap3A_758 = tpu.vector_load %arg8[%swap3A_756, %swap3A_757] {strides = array<i32>} : memref<256x128xf32, #tpu.memory_space<vmem>>, vector<1x16xf32>,
      %swap3A_759 = vector.shape_cast %swap3A_758 : vector<1x16xf32> to vector<16xf32>
      %swap3A_760 = vector.shape_cast %get3A_749 : vector<16xf32> to vector<1x16xf32>
      tpu.vector_store %arg8[%swap3A_756, %swap3A_757], %swap3A_760 {strides = array<i32>} : memref<256x128xf32, #tpu.memory_space<vmem>>, vector<1x16xf32>,
      %mul3A_761 = arith.constant 2 : i32
      %mul3A_762 = arith.muli %mul3A_761, %scan3A_558 : i32
      %get3A_763 = arith.index_cast %mul3A_762 : i32 to index
      %get3A_764 = arith.constant 96 : index
      %get3A_765 = tpu.vector_load %arg7[%get3A_763, %get3A_764] {strides = array<i32>} : memref<64x128xf32, #tpu.memory_space<vmem>>, vector<1x16xf32>,
      %get3A_766 = vector.shape_cast %get3A_765 : vector<1x16xf32> to vector<16xf32>
      %mul3A_767 = arith.constant 2 : i32
      %mul3A_768 = arith.muli %mul3A_767, %scan3A_558 : i32
      %add3A_769 = arith.constant 64 : i32
      %add3A_770 = arith.addi %add3A_769, %mul3A_768 : i32
      %swap3A_771 = arith.index_cast %add3A_770 : i32 to index
      %swap3A_772 = arith.constant 96 : index
      %swap3A_773 = tpu.vector_load %arg8[%swap3A_771, %swap3A_772] {strides = array<i32>} : memref<256x128xf32, #tpu.memory_space<vmem>>, vector<1x16xf32>,
      %swap3A_774 = vector.shape_cast %swap3A_773 : vector<1x16xf32> to vector<16xf32>
      %swap3A_775 = vector.shape_cast %get3A_766 : vector<16xf32> to vector<1x16xf32>
      tpu.vector_store %arg8[%swap3A_771, %swap3A_772], %swap3A_775 {strides = array<i32>} : memref<256x128xf32, #tpu.memory_space<vmem>>, vector<1x16xf32>,
      %mul3A_776 = arith.constant 2 : i32
      %mul3A_777 = arith.muli %mul3A_776, %scan3A_558 : i32
      %add3A_778 = arith.constant 1 : i32
      %add3A_779 = arith.addi %mul3A_777, %add3A_778 : i32
      %get3A_780 = arith.index_cast %add3A_779 : i32 to index
      %get3A_781 = arith.constant 96 : index
      %get3A_782 = tpu.vector_load %arg7[%get3A_780, %get3A_781] {strides = array<i32>} : memref<64x128xf32, #tpu.memory_space<vmem>>, vector<1x16xf32>,
      %get3A_783 = vector.shape_cast %get3A_782 : vector<1x16xf32> to vector<16xf32>
      %mul3A_784 = arith.constant 2 : i32
      %mul3A_785 = arith.muli %mul3A_784, %scan3A_558 : i32
      %add3A_786 = arith.constant 64 : i32
      %add3A_787 = arith.addi %add3A_786, %mul3A_785 : i32
      %add3A_788 = arith.constant 1 : i32
      %add3A_789 = arith.addi %add3A_787, %add3A_788 : i32
      %swap3A_790 = arith.index_cast %add3A_789 : i32 to index
      %swap3A_791 = arith.constant 96 : index
      %swap3A_792 = tpu.vector_load %arg8[%swap3A_790, %swap3A_791] {strides = array<i32>} : memref<256x128xf32, #tpu.memory_space<vmem>>, vector<1x16xf32>,
      %swap3A_793 = vector.shape_cast %swap3A_792 : vector<1x16xf32> to vector<16xf32>
      %swap3A_794 = vector.shape_cast %get3A_783 : vector<16xf32> to vector<1x16xf32>
      tpu.vector_store %arg8[%swap3A_790, %swap3A_791], %swap3A_794 {strides = array<i32>} : memref<256x128xf32, #tpu.memory_space<vmem>>, vector<1x16xf32>,
      %mul3A_795 = arith.constant 2 : i32
      %mul3A_796 = arith.muli %mul3A_795, %scan3A_558 : i32
      %get3A_797 = arith.index_cast %mul3A_796 : i32 to index
      %get3A_798 = arith.constant 112 : index
      %get3A_799 = tpu.vector_load %arg7[%get3A_797, %get3A_798] {strides = array<i32>} : memref<64x128xf32, #tpu.memory_space<vmem>>, vector<1x16xf32>,
      %get3A_800 = vector.shape_cast %get3A_799 : vector<1x16xf32> to vector<16xf32>
      %mul3A_801 = arith.constant 2 : i32
      %mul3A_802 = arith.muli %mul3A_801, %scan3A_558 : i32
      %add3A_803 = arith.constant 64 : i32
      %add3A_804 = arith.addi %add3A_803, %mul3A_802 : i32
      %swap3A_805 = arith.index_cast %add3A_804 : i32 to index
      %swap3A_806 = arith.constant 112 : index
      %swap3A_807 = tpu.vector_load %arg8[%swap3A_805, %swap3A_806] {strides = array<i32>} : memref<256x128xf32, #tpu.memory_space<vmem>>, vector<1x16xf32>,
      %swap3A_808 = vector.shape_cast %swap3A_807 : vector<1x16xf32> to vector<16xf32>
      %swap3A_809 = vector.shape_cast %get3A_800 : vector<16xf32> to vector<1x16xf32>
      tpu.vector_store %arg8[%swap3A_805, %swap3A_806], %swap3A_809 {strides = array<i32>} : memref<256x128xf32, #tpu.memory_space<vmem>>, vector<1x16xf32>,
      %mul3A_810 = arith.constant 2 : i32
      %mul3A_811 = arith.muli %mul3A_810, %scan3A_558 : i32
      %add3A_812 = arith.constant 1 : i32
      %add3A_813 = arith.addi %mul3A_811, %add3A_812 : i32
      %get3A_814 = arith.index_cast %add3A_813 : i32 to index
      %get3A_815 = arith.constant 112 : index
      %get3A_816 = tpu.vector_load %arg7[%get3A_814, %get3A_815] {strides = array<i32>} : memref<64x128xf32, #tpu.memory_space<vmem>>, vector<1x16xf32>,
      %get3A_817 = vector.shape_cast %get3A_816 : vector<1x16xf32> to vector<16xf32>
      %mul3A_818 = arith.constant 2 : i32
      %mul3A_819 = arith.muli %mul3A_818, %scan3A_558 : i32
      %add3A_820 = arith.constant 64 : i32
      %add3A_821 = arith.addi %add3A_820, %mul3A_819 : i32
      %add3A_822 = arith.constant 1 : i32
      %add3A_823 = arith.addi %add3A_821, %add3A_822 : i32
      %swap3A_824 = arith.index_cast %add3A_823 : i32 to index
      %swap3A_825 = arith.constant 112 : index
      %swap3A_826 = tpu.vector_load %arg8[%swap3A_824, %swap3A_825] {strides = array<i32>} : memref<256x128xf32, #tpu.memory_space<vmem>>, vector<1x16xf32>,
      %swap3A_827 = vector.shape_cast %swap3A_826 : vector<1x16xf32> to vector<16xf32>
      %swap3A_828 = vector.shape_cast %get3A_817 : vector<16xf32> to vector<1x16xf32>
      tpu.vector_store %arg8[%swap3A_824, %swap3A_825], %swap3A_828 {strides = array<i32>} : memref<256x128xf32, #tpu.memory_space<vmem>>, vector<1x16xf32>,
    }
    %scan3A_119 = arith.constant 32 : i32
    %dma_wait3A_120 = arith.constant 0 : i32
    %dma_wait3A_121 = arith.constant 0 : i32
    %dma_wait3A_122 = tpu.memref_slice %arg8[%dma_wait3A_120, %dma_wait3A_121] : memref<256x128xf32, #tpu.memory_space<vmem>> -> memref<64x128xf32, #tpu.memory_space<vmem>>
    %dma_wait3A_123 = arith.constant 0 : i32
    %dma_wait3A_124 = tpu.memref_slice %arg4[%mul3A_2, %dma_wait3A_123] : memref<2048x128xf32, #tpu.memory_space<hbm>> -> memref<64x128xf32, #tpu.memory_space<hbm>>
    %dma_wait3A_125 = arith.constant 0 : i32
    %dma_wait3A_126 = arith.constant 0 : i32
    %dma_wait3A_127 = tpu.memref_slice %arg8[%dma_wait3A_125, %dma_wait3A_126] : memref<256x128xf32, #tpu.memory_space<vmem>> -> memref<64x128xf32, #tpu.memory_space<vmem>>
    %dma_wait3A_128 = arith.constant 0 : i32
    %dma_wait3A_129 = tpu.memref_slice %arg4[%mul3A_2, %dma_wait3A_128] : memref<2048x128xf32, #tpu.memory_space<hbm>> -> memref<64x128xf32, #tpu.memory_space<hbm>>
    tpu.wait_dma2 semaphore(%arg17 : memref<!tpu.dma_semaphore, #tpu.memory_space<semaphore_mem>>) src(%dma_wait3A_129 : memref<64x128xf32, #tpu.memory_space<hbm>>) dst(%dma_wait3A_127 : memref<64x128xf32, #tpu.memory_space<vmem>>)
    %dma_start3A_130 = arith.constant 0 : i32
    %dma_start3A_131 = arith.constant 0 : i32
    %dma_start3A_132 = arith.constant 0 : i32
    %dma_start3A_133 = tpu.memref_slice %arg8[%dma_start3A_131, %dma_start3A_132] : memref<256x128xf32, #tpu.memory_space<vmem>> -> memref<32x128xf32, #tpu.memory_space<vmem>>
    %dma_start3A_134 = arith.constant 0 : i32
    %dma_start3A_135 = tpu.memref_slice %arg6[%dma_start3A_130, %dma_start3A_134] : memref<4x64xi32, #tpu.memory_space<vmem>> -> memref<1x64xi32, #tpu.memory_space<vmem>>
    %dma_start3A_136 = tpu.memref_squeeze %dma_start3A_135 : memref<1x64xi32, #tpu.memory_space<vmem>> -> memref<64xi32, #tpu.memory_space<vmem>>
    %dma_start3A_137 = arith.constant 0 : i32
    %dma_start3A_138 = tpu.memref_slice %dma_start3A_136[%dma_start3A_137] : memref<64xi32, #tpu.memory_space<vmem>> -> memref<32xi32, #tpu.memory_space<vmem>>
    %dma_start3A_139 = arith.constant 0 : i32
    %dma_start3A_140 = arith.constant 0 : i32
    %dma_start3A_141 = tpu.memref_slice %arg3[%dma_start3A_139, %dma_start3A_140] : memref<100000x128xf32, #tpu.memory_space<hbm>> -> memref<100000x128xf32, #tpu.memory_space<hbm>>
    tpu.enqueue_indirect_dma source(%dma_start3A_141 : memref<100000x128xf32, #tpu.memory_space<hbm>>) target(%dma_start3A_133 : memref<32x128xf32, #tpu.memory_space<vmem>>) offsets(%dma_start3A_138 : memref<32xi32, #tpu.memory_space<vmem>>) semaphore(%arg9 : memref<!tpu.dma_semaphore, #tpu.memory_space<semaphore_mem>>) {add = true}
    %dma_start3A_142 = arith.constant 0 : i32
    %dma_start3A_143 = arith.constant 32 : i32
    %dma_start3A_144 = arith.constant 0 : i32
    %dma_start3A_145 = tpu.memref_slice %arg8[%dma_start3A_143, %dma_start3A_144] : memref<256x128xf32, #tpu.memory_space<vmem>> -> memref<32x128xf32, #tpu.memory_space<vmem>>
    %dma_start3A_146 = arith.constant 0 : i32
    %dma_start3A_147 = tpu.memref_slice %arg6[%dma_start3A_142, %dma_start3A_146] : memref<4x64xi32, #tpu.memory_space<vmem>> -> memref<1x64xi32, #tpu.memory_space<vmem>>
    %dma_start3A_148 = tpu.memref_squeeze %dma_start3A_147 : memref<1x64xi32, #tpu.memory_space<vmem>> -> memref<64xi32, #tpu.memory_space<vmem>>
    %dma_start3A_149 = arith.constant 32 : i32
    %dma_start3A_150 = tpu.memref_slice %dma_start3A_148[%dma_start3A_149] : memref<64xi32, #tpu.memory_space<vmem>> -> memref<32xi32, #tpu.memory_space<vmem>>
    %dma_start3A_151 = arith.constant 0 : i32
    %dma_start3A_152 = arith.constant 0 : i32
    %dma_start3A_153 = tpu.memref_slice %arg3[%dma_start3A_151, %dma_start3A_152] : memref<100000x128xf32, #tpu.memory_space<hbm>> -> memref<100000x128xf32, #tpu.memory_space<hbm>>
    tpu.enqueue_indirect_dma source(%dma_start3A_153 : memref<100000x128xf32, #tpu.memory_space<hbm>>) target(%dma_start3A_145 : memref<32x128xf32, #tpu.memory_space<vmem>>) offsets(%dma_start3A_150 : memref<32xi32, #tpu.memory_space<vmem>>) semaphore(%arg10 : memref<!tpu.dma_semaphore, #tpu.memory_space<semaphore_mem>>) {add = true}
    %dma_start3A_154 = arith.constant 1 : i32
    %dma_start3A_155 = arith.constant 64 : i32
    %dma_start3A_156 = arith.constant 0 : i32
    %dma_start3A_157 = tpu.memref_slice %arg8[%dma_start3A_155, %dma_start3A_156] : memref<256x128xf32, #tpu.memory_space<vmem>> -> memref<32x128xf32, #tpu.memory_space<vmem>>
    %dma_start3A_158 = arith.constant 0 : i32
    %dma_start3A_159 = tpu.memref_slice %arg6[%dma_start3A_154, %dma_start3A_158] : memref<4x64xi32, #tpu.memory_space<vmem>> -> memref<1x64xi32, #tpu.memory_space<vmem>>
    %dma_start3A_160 = tpu.memref_squeeze %dma_start3A_159 : memref<1x64xi32, #tpu.memory_space<vmem>> -> memref<64xi32, #tpu.memory_space<vmem>>
    %dma_start3A_161 = arith.constant 0 : i32
    %dma_start3A_162 = tpu.memref_slice %dma_start3A_160[%dma_start3A_161] : memref<64xi32, #tpu.memory_space<vmem>> -> memref<32xi32, #tpu.memory_space<vmem>>
    %dma_start3A_163 = arith.constant 0 : i32
    %dma_start3A_164 = arith.constant 0 : i32
    %dma_start3A_165 = tpu.memref_slice %arg3[%dma_start3A_163, %dma_start3A_164] : memref<100000x128xf32, #tpu.memory_space<hbm>> -> memref<100000x128xf32, #tpu.memory_space<hbm>>
    tpu.enqueue_indirect_dma source(%dma_start3A_165 : memref<100000x128xf32, #tpu.memory_space<hbm>>) target(%dma_start3A_157 : memref<32x128xf32, #tpu.memory_space<vmem>>) offsets(%dma_start3A_162 : memref<32xi32, #tpu.memory_space<vmem>>) semaphore(%arg11 : memref<!tpu.dma_semaphore, #tpu.memory_space<semaphore_mem>>) {add = true}
    %dma_start3A_166 = arith.constant 1 : i32
    %dma_start3A_167 = arith.constant 96 : i32
    %dma_start3A_168 = arith.constant 0 : i32
    %dma_start3A_169 = tpu.memref_slice %arg8[%dma_start3A_167, %dma_start3A_168] : memref<256x128xf32, #tpu.memory_space<vmem>> -> memref<32x128xf32, #tpu.memory_space<vmem>>
    %dma_start3A_170 = arith.constant 0 : i32
    %dma_start3A_171 = tpu.memref_slice %arg6[%dma_start3A_166, %dma_start3A_170] : memref<4x64xi32, #tpu.memory_space<vmem>> -> memref<1x64xi32, #tpu.memory_space<vmem>>
    %dma_start3A_172 = tpu.memref_squeeze %dma_start3A_171 : memref<1x64xi32, #tpu.memory_space<vmem>> -> memref<64xi32, #tpu.memory_space<vmem>>
    %dma_start3A_173 = arith.constant 32 : i32
    %dma_start3A_174 = tpu.memref_slice %dma_start3A_172[%dma_start3A_173] : memref<64xi32, #tpu.memory_space<vmem>> -> memref<32xi32, #tpu.memory_space<vmem>>
    %dma_start3A_175 = arith.constant 0 : i32
    %dma_start3A_176 = arith.constant 0 : i32
    %dma_start3A_177 = tpu.memref_slice %arg3[%dma_start3A_175, %dma_start3A_176] : memref<100000x128xf32, #tpu.memory_space<hbm>> -> memref<100000x128xf32, #tpu.memory_space<hbm>>
    tpu.enqueue_indirect_dma source(%dma_start3A_177 : memref<100000x128xf32, #tpu.memory_space<hbm>>) target(%dma_start3A_169 : memref<32x128xf32, #tpu.memory_space<vmem>>) offsets(%dma_start3A_174 : memref<32xi32, #tpu.memory_space<vmem>>) semaphore(%arg12 : memref<!tpu.dma_semaphore, #tpu.memory_space<semaphore_mem>>) {add = true}
    %scan3A_178 = arith.constant 0 : i32
    %scan3A_179 = arith.constant 0 : i32
    %scan3A_180 = arith.constant 32 : i32
    %scan3A_181 = arith.addi %scan3A_179, %scan3A_180 : i32
    %scan3A_182 = arith.constant 1 : i32
    scf.for %scan3A_558 = %scan3A_179 to %scan3A_181 step %scan3A_182  : i32 {
      %mul3A_559 = arith.constant 2 : i32
      %mul3A_560 = arith.muli %mul3A_559, %scan3A_558 : i32
      %get3A = arith.index_cast %mul3A_560 : i32 to index
      %get3A_561 = arith.constant 0 : index
      %get3A_562 = tpu.vector_load %arg7[%get3A, %get3A_561] {strides = array<i32>} : memref<64x128xf32, #tpu.memory_space<vmem>>, vector<1x16xf32>,
      %get3A_563 = vector.shape_cast %get3A_562 : vector<1x16xf32> to vector<16xf32>
      %mul3A_564 = arith.constant 2 : i32
      %mul3A_565 = arith.muli %mul3A_564, %scan3A_558 : i32
      %add3A_566 = arith.constant 128 : i32
      %add3A_567 = arith.addi %add3A_566, %mul3A_565 : i32
      %swap3A = arith.index_cast %add3A_567 : i32 to index
      %swap3A_568 = arith.constant 0 : index
      %swap3A_569 = tpu.vector_load %arg8[%swap3A, %swap3A_568] {strides = array<i32>} : memref<256x128xf32, #tpu.memory_space<vmem>>, vector<1x16xf32>,
      %swap3A_570 = vector.shape_cast %swap3A_569 : vector<1x16xf32> to vector<16xf32>
      %swap3A_571 = vector.shape_cast %get3A_563 : vector<16xf32> to vector<1x16xf32>
      tpu.vector_store %arg8[%swap3A, %swap3A_568], %swap3A_571 {strides = array<i32>} : memref<256x128xf32, #tpu.memory_space<vmem>>, vector<1x16xf32>,
      %mul3A_572 = arith.constant 2 : i32
      %mul3A_573 = arith.muli %mul3A_572, %scan3A_558 : i32
      %add3A_574 = arith.constant 1 : i32
      %add3A_575 = arith.addi %mul3A_573, %add3A_574 : i32
      %get3A_576 = arith.index_cast %add3A_575 : i32 to index
      %get3A_577 = arith.constant 0 : index
      %get3A_578 = tpu.vector_load %arg7[%get3A_576, %get3A_577] {strides = array<i32>} : memref<64x128xf32, #tpu.memory_space<vmem>>, vector<1x16xf32>,
      %get3A_579 = vector.shape_cast %get3A_578 : vector<1x16xf32> to vector<16xf32>
      %mul3A_580 = arith.constant 2 : i32
      %mul3A_581 = arith.muli %mul3A_580, %scan3A_558 : i32
      %add3A_582 = arith.constant 128 : i32
      %add3A_583 = arith.addi %add3A_582, %mul3A_581 : i32
      %add3A_584 = arith.constant 1 : i32
      %add3A_585 = arith.addi %add3A_583, %add3A_584 : i32
      %swap3A_586 = arith.index_cast %add3A_585 : i32 to index
      %swap3A_587 = arith.constant 0 : index
      %swap3A_588 = tpu.vector_load %arg8[%swap3A_586, %swap3A_587] {strides = array<i32>} : memref<256x128xf32, #tpu.memory_space<vmem>>, vector<1x16xf32>,
      %swap3A_589 = vector.shape_cast %swap3A_588 : vector<1x16xf32> to vector<16xf32>
      %swap3A_590 = vector.shape_cast %get3A_579 : vector<16xf32> to vector<1x16xf32>
      tpu.vector_store %arg8[%swap3A_586, %swap3A_587], %swap3A_590 {strides = array<i32>} : memref<256x128xf32, #tpu.memory_space<vmem>>, vector<1x16xf32>,
      %mul3A_591 = arith.constant 2 : i32
      %mul3A_592 = arith.muli %mul3A_591, %scan3A_558 : i32
      %get3A_593 = arith.index_cast %mul3A_592 : i32 to index
      %get3A_594 = arith.constant 16 : index
      %get3A_595 = tpu.vector_load %arg7[%get3A_593, %get3A_594] {strides = array<i32>} : memref<64x128xf32, #tpu.memory_space<vmem>>, vector<1x16xf32>,
      %get3A_596 = vector.shape_cast %get3A_595 : vector<1x16xf32> to vector<16xf32>
      %mul3A_597 = arith.constant 2 : i32
      %mul3A_598 = arith.muli %mul3A_597, %scan3A_558 : i32
      %add3A_599 = arith.constant 128 : i32
      %add3A_600 = arith.addi %add3A_599, %mul3A_598 : i32
      %swap3A_601 = arith.index_cast %add3A_600 : i32 to index
      %swap3A_602 = arith.constant 16 : index
      %swap3A_603 = tpu.vector_load %arg8[%swap3A_601, %swap3A_602] {strides = array<i32>} : memref<256x128xf32, #tpu.memory_space<vmem>>, vector<1x16xf32>,
      %swap3A_604 = vector.shape_cast %swap3A_603 : vector<1x16xf32> to vector<16xf32>
      %swap3A_605 = vector.shape_cast %get3A_596 : vector<16xf32> to vector<1x16xf32>
      tpu.vector_store %arg8[%swap3A_601, %swap3A_602], %swap3A_605 {strides = array<i32>} : memref<256x128xf32, #tpu.memory_space<vmem>>, vector<1x16xf32>,
      %mul3A_606 = arith.constant 2 : i32
      %mul3A_607 = arith.muli %mul3A_606, %scan3A_558 : i32
      %add3A_608 = arith.constant 1 : i32
      %add3A_609 = arith.addi %mul3A_607, %add3A_608 : i32
      %get3A_610 = arith.index_cast %add3A_609 : i32 to index
      %get3A_611 = arith.constant 16 : index
      %get3A_612 = tpu.vector_load %arg7[%get3A_610, %get3A_611] {strides = array<i32>} : memref<64x128xf32, #tpu.memory_space<vmem>>, vector<1x16xf32>,
      %get3A_613 = vector.shape_cast %get3A_612 : vector<1x16xf32> to vector<16xf32>
      %mul3A_614 = arith.constant 2 : i32
      %mul3A_615 = arith.muli %mul3A_614, %scan3A_558 : i32
      %add3A_616 = arith.constant 128 : i32
      %add3A_617 = arith.addi %add3A_616, %mul3A_615 : i32
      %add3A_618 = arith.constant 1 : i32
      %add3A_619 = arith.addi %add3A_617, %add3A_618 : i32
      %swap3A_620 = arith.index_cast %add3A_619 : i32 to index
      %swap3A_621 = arith.constant 16 : index
      %swap3A_622 = tpu.vector_load %arg8[%swap3A_620, %swap3A_621] {strides = array<i32>} : memref<256x128xf32, #tpu.memory_space<vmem>>, vector<1x16xf32>,
      %swap3A_623 = vector.shape_cast %swap3A_622 : vector<1x16xf32> to vector<16xf32>
      %swap3A_624 = vector.shape_cast %get3A_613 : vector<16xf32> to vector<1x16xf32>
      tpu.vector_store %arg8[%swap3A_620, %swap3A_621], %swap3A_624 {strides = array<i32>} : memref<256x128xf32, #tpu.memory_space<vmem>>, vector<1x16xf32>,
      %mul3A_625 = arith.constant 2 : i32
      %mul3A_626 = arith.muli %mul3A_625, %scan3A_558 : i32
      %get3A_627 = arith.index_cast %mul3A_626 : i32 to index
      %get3A_628 = arith.constant 32 : index
      %get3A_629 = tpu.vector_load %arg7[%get3A_627, %get3A_628] {strides = array<i32>} : memref<64x128xf32, #tpu.memory_space<vmem>>, vector<1x16xf32>,
      %get3A_630 = vector.shape_cast %get3A_629 : vector<1x16xf32> to vector<16xf32>
      %mul3A_631 = arith.constant 2 : i32
      %mul3A_632 = arith.muli %mul3A_631, %scan3A_558 : i32
      %add3A_633 = arith.constant 128 : i32
      %add3A_634 = arith.addi %add3A_633, %mul3A_632 : i32
      %swap3A_635 = arith.index_cast %add3A_634 : i32 to index
      %swap3A_636 = arith.constant 32 : index
      %swap3A_637 = tpu.vector_load %arg8[%swap3A_635, %swap3A_636] {strides = array<i32>} : memref<256x128xf32, #tpu.memory_space<vmem>>, vector<1x16xf32>,
      %swap3A_638 = vector.shape_cast %swap3A_637 : vector<1x16xf32> to vector<16xf32>
      %swap3A_639 = vector.shape_cast %get3A_630 : vector<16xf32> to vector<1x16xf32>
      tpu.vector_store %arg8[%swap3A_635, %swap3A_636], %swap3A_639 {strides = array<i32>} : memref<256x128xf32, #tpu.memory_space<vmem>>, vector<1x16xf32>,
      %mul3A_640 = arith.constant 2 : i32
      %mul3A_641 = arith.muli %mul3A_640, %scan3A_558 : i32
      %add3A_642 = arith.constant 1 : i32
      %add3A_643 = arith.addi %mul3A_641, %add3A_642 : i32
      %get3A_644 = arith.index_cast %add3A_643 : i32 to index
      %get3A_645 = arith.constant 32 : index
      %get3A_646 = tpu.vector_load %arg7[%get3A_644, %get3A_645] {strides = array<i32>} : memref<64x128xf32, #tpu.memory_space<vmem>>, vector<1x16xf32>,
      %get3A_647 = vector.shape_cast %get3A_646 : vector<1x16xf32> to vector<16xf32>
      %mul3A_648 = arith.constant 2 : i32
      %mul3A_649 = arith.muli %mul3A_648, %scan3A_558 : i32
      %add3A_650 = arith.constant 128 : i32
      %add3A_651 = arith.addi %add3A_650, %mul3A_649 : i32
      %add3A_652 = arith.constant 1 : i32
      %add3A_653 = arith.addi %add3A_651, %add3A_652 : i32
      %swap3A_654 = arith.index_cast %add3A_653 : i32 to index
      %swap3A_655 = arith.constant 32 : index
      %swap3A_656 = tpu.vector_load %arg8[%swap3A_654, %swap3A_655] {strides = array<i32>} : memref<256x128xf32, #tpu.memory_space<vmem>>, vector<1x16xf32>,
      %swap3A_657 = vector.shape_cast %swap3A_656 : vector<1x16xf32> to vector<16xf32>
      %swap3A_658 = vector.shape_cast %get3A_647 : vector<16xf32> to vector<1x16xf32>
      tpu.vector_store %arg8[%swap3A_654, %swap3A_655], %swap3A_658 {strides = array<i32>} : memref<256x128xf32, #tpu.memory_space<vmem>>, vector<1x16xf32>,
      %mul3A_659 = arith.constant 2 : i32
      %mul3A_660 = arith.muli %mul3A_659, %scan3A_558 : i32
      %get3A_661 = arith.index_cast %mul3A_660 : i32 to index
      %get3A_662 = arith.constant 48 : index
      %get3A_663 = tpu.vector_load %arg7[%get3A_661, %get3A_662] {strides = array<i32>} : memref<64x128xf32, #tpu.memory_space<vmem>>, vector<1x16xf32>,
      %get3A_664 = vector.shape_cast %get3A_663 : vector<1x16xf32> to vector<16xf32>
      %mul3A_665 = arith.constant 2 : i32
      %mul3A_666 = arith.muli %mul3A_665, %scan3A_558 : i32
      %add3A_667 = arith.constant 128 : i32
      %add3A_668 = arith.addi %add3A_667, %mul3A_666 : i32
      %swap3A_669 = arith.index_cast %add3A_668 : i32 to index
      %swap3A_670 = arith.constant 48 : index
      %swap3A_671 = tpu.vector_load %arg8[%swap3A_669, %swap3A_670] {strides = array<i32>} : memref<256x128xf32, #tpu.memory_space<vmem>>, vector<1x16xf32>,
      %swap3A_672 = vector.shape_cast %swap3A_671 : vector<1x16xf32> to vector<16xf32>
      %swap3A_673 = vector.shape_cast %get3A_664 : vector<16xf32> to vector<1x16xf32>
      tpu.vector_store %arg8[%swap3A_669, %swap3A_670], %swap3A_673 {strides = array<i32>} : memref<256x128xf32, #tpu.memory_space<vmem>>, vector<1x16xf32>,
      %mul3A_674 = arith.constant 2 : i32
      %mul3A_675 = arith.muli %mul3A_674, %scan3A_558 : i32
      %add3A_676 = arith.constant 1 : i32
      %add3A_677 = arith.addi %mul3A_675, %add3A_676 : i32
      %get3A_678 = arith.index_cast %add3A_677 : i32 to index
      %get3A_679 = arith.constant 48 : index
      %get3A_680 = tpu.vector_load %arg7[%get3A_678, %get3A_679] {strides = array<i32>} : memref<64x128xf32, #tpu.memory_space<vmem>>, vector<1x16xf32>,
      %get3A_681 = vector.shape_cast %get3A_680 : vector<1x16xf32> to vector<16xf32>
      %mul3A_682 = arith.constant 2 : i32
      %mul3A_683 = arith.muli %mul3A_682, %scan3A_558 : i32
      %add3A_684 = arith.constant 128 : i32
      %add3A_685 = arith.addi %add3A_684, %mul3A_683 : i32
      %add3A_686 = arith.constant 1 : i32
      %add3A_687 = arith.addi %add3A_685, %add3A_686 : i32
      %swap3A_688 = arith.index_cast %add3A_687 : i32 to index
      %swap3A_689 = arith.constant 48 : index
      %swap3A_690 = tpu.vector_load %arg8[%swap3A_688, %swap3A_689] {strides = array<i32>} : memref<256x128xf32, #tpu.memory_space<vmem>>, vector<1x16xf32>,
      %swap3A_691 = vector.shape_cast %swap3A_690 : vector<1x16xf32> to vector<16xf32>
      %swap3A_692 = vector.shape_cast %get3A_681 : vector<16xf32> to vector<1x16xf32>
      tpu.vector_store %arg8[%swap3A_688, %swap3A_689], %swap3A_692 {strides = array<i32>} : memref<256x128xf32, #tpu.memory_space<vmem>>, vector<1x16xf32>,
      %mul3A_693 = arith.constant 2 : i32
      %mul3A_694 = arith.muli %mul3A_693, %scan3A_558 : i32
      %get3A_695 = arith.index_cast %mul3A_694 : i32 to index
      %get3A_696 = arith.constant 64 : index
      %get3A_697 = tpu.vector_load %arg7[%get3A_695, %get3A_696] {strides = array<i32>} : memref<64x128xf32, #tpu.memory_space<vmem>>, vector<1x16xf32>,
      %get3A_698 = vector.shape_cast %get3A_697 : vector<1x16xf32> to vector<16xf32>
      %mul3A_699 = arith.constant 2 : i32
      %mul3A_700 = arith.muli %mul3A_699, %scan3A_558 : i32
      %add3A_701 = arith.constant 128 : i32
      %add3A_702 = arith.addi %add3A_701, %mul3A_700 : i32
      %swap3A_703 = arith.index_cast %add3A_702 : i32 to index
      %swap3A_704 = arith.constant 64 : index
      %swap3A_705 = tpu.vector_load %arg8[%swap3A_703, %swap3A_704] {strides = array<i32>} : memref<256x128xf32, #tpu.memory_space<vmem>>, vector<1x16xf32>,
      %swap3A_706 = vector.shape_cast %swap3A_705 : vector<1x16xf32> to vector<16xf32>
      %swap3A_707 = vector.shape_cast %get3A_698 : vector<16xf32> to vector<1x16xf32>
      tpu.vector_store %arg8[%swap3A_703, %swap3A_704], %swap3A_707 {strides = array<i32>} : memref<256x128xf32, #tpu.memory_space<vmem>>, vector<1x16xf32>,
      %mul3A_708 = arith.constant 2 : i32
      %mul3A_709 = arith.muli %mul3A_708, %scan3A_558 : i32
      %add3A_710 = arith.constant 1 : i32
      %add3A_711 = arith.addi %mul3A_709, %add3A_710 : i32
      %get3A_712 = arith.index_cast %add3A_711 : i32 to index
      %get3A_713 = arith.constant 64 : index
      %get3A_714 = tpu.vector_load %arg7[%get3A_712, %get3A_713] {strides = array<i32>} : memref<64x128xf32, #tpu.memory_space<vmem>>, vector<1x16xf32>,
      %get3A_715 = vector.shape_cast %get3A_714 : vector<1x16xf32> to vector<16xf32>
      %mul3A_716 = arith.constant 2 : i32
      %mul3A_717 = arith.muli %mul3A_716, %scan3A_558 : i32
      %add3A_718 = arith.constant 128 : i32
      %add3A_719 = arith.addi %add3A_718, %mul3A_717 : i32
      %add3A_720 = arith.constant 1 : i32
      %add3A_721 = arith.addi %add3A_719, %add3A_720 : i32
      %swap3A_722 = arith.index_cast %add3A_721 : i32 to index
      %swap3A_723 = arith.constant 64 : index
      %swap3A_724 = tpu.vector_load %arg8[%swap3A_722, %swap3A_723] {strides = array<i32>} : memref<256x128xf32, #tpu.memory_space<vmem>>, vector<1x16xf32>,
      %swap3A_725 = vector.shape_cast %swap3A_724 : vector<1x16xf32> to vector<16xf32>
      %swap3A_726 = vector.shape_cast %get3A_715 : vector<16xf32> to vector<1x16xf32>
      tpu.vector_store %arg8[%swap3A_722, %swap3A_723], %swap3A_726 {strides = array<i32>} : memref<256x128xf32, #tpu.memory_space<vmem>>, vector<1x16xf32>,
      %mul3A_727 = arith.constant 2 : i32
      %mul3A_728 = arith.muli %mul3A_727, %scan3A_558 : i32
      %get3A_729 = arith.index_cast %mul3A_728 : i32 to index
      %get3A_730 = arith.constant 80 : index
      %get3A_731 = tpu.vector_load %arg7[%get3A_729, %get3A_730] {strides = array<i32>} : memref<64x128xf32, #tpu.memory_space<vmem>>, vector<1x16xf32>,
      %get3A_732 = vector.shape_cast %get3A_731 : vector<1x16xf32> to vector<16xf32>
      %mul3A_733 = arith.constant 2 : i32
      %mul3A_734 = arith.muli %mul3A_733, %scan3A_558 : i32
      %add3A_735 = arith.constant 128 : i32
      %add3A_736 = arith.addi %add3A_735, %mul3A_734 : i32
      %swap3A_737 = arith.index_cast %add3A_736 : i32 to index
      %swap3A_738 = arith.constant 80 : index
      %swap3A_739 = tpu.vector_load %arg8[%swap3A_737, %swap3A_738] {strides = array<i32>} : memref<256x128xf32, #tpu.memory_space<vmem>>, vector<1x16xf32>,
      %swap3A_740 = vector.shape_cast %swap3A_739 : vector<1x16xf32> to vector<16xf32>
      %swap3A_741 = vector.shape_cast %get3A_732 : vector<16xf32> to vector<1x16xf32>
      tpu.vector_store %arg8[%swap3A_737, %swap3A_738], %swap3A_741 {strides = array<i32>} : memref<256x128xf32, #tpu.memory_space<vmem>>, vector<1x16xf32>,
      %mul3A_742 = arith.constant 2 : i32
      %mul3A_743 = arith.muli %mul3A_742, %scan3A_558 : i32
      %add3A_744 = arith.constant 1 : i32
      %add3A_745 = arith.addi %mul3A_743, %add3A_744 : i32
      %get3A_746 = arith.index_cast %add3A_745 : i32 to index
      %get3A_747 = arith.constant 80 : index
      %get3A_748 = tpu.vector_load %arg7[%get3A_746, %get3A_747] {strides = array<i32>} : memref<64x128xf32, #tpu.memory_space<vmem>>, vector<1x16xf32>,
      %get3A_749 = vector.shape_cast %get3A_748 : vector<1x16xf32> to vector<16xf32>
      %mul3A_750 = arith.constant 2 : i32
      %mul3A_751 = arith.muli %mul3A_750, %scan3A_558 : i32
      %add3A_752 = arith.constant 128 : i32
      %add3A_753 = arith.addi %add3A_752, %mul3A_751 : i32
      %add3A_754 = arith.constant 1 : i32
      %add3A_755 = arith.addi %add3A_753, %add3A_754 : i32
      %swap3A_756 = arith.index_cast %add3A_755 : i32 to index
      %swap3A_757 = arith.constant 80 : index
      %swap3A_758 = tpu.vector_load %arg8[%swap3A_756, %swap3A_757] {strides = array<i32>} : memref<256x128xf32, #tpu.memory_space<vmem>>, vector<1x16xf32>,
      %swap3A_759 = vector.shape_cast %swap3A_758 : vector<1x16xf32> to vector<16xf32>
      %swap3A_760 = vector.shape_cast %get3A_749 : vector<16xf32> to vector<1x16xf32>
      tpu.vector_store %arg8[%swap3A_756, %swap3A_757], %swap3A_760 {strides = array<i32>} : memref<256x128xf32, #tpu.memory_space<vmem>>, vector<1x16xf32>,
      %mul3A_761 = arith.constant 2 : i32
      %mul3A_762 = arith.muli %mul3A_761, %scan3A_558 : i32
      %get3A_763 = arith.index_cast %mul3A_762 : i32 to index
      %get3A_764 = arith.constant 96 : index
      %get3A_765 = tpu.vector_load %arg7[%get3A_763, %get3A_764] {strides = array<i32>} : memref<64x128xf32, #tpu.memory_space<vmem>>, vector<1x16xf32>,
      %get3A_766 = vector.shape_cast %get3A_765 : vector<1x16xf32> to vector<16xf32>
      %mul3A_767 = arith.constant 2 : i32
      %mul3A_768 = arith.muli %mul3A_767, %scan3A_558 : i32
      %add3A_769 = arith.constant 128 : i32
      %add3A_770 = arith.addi %add3A_769, %mul3A_768 : i32
      %swap3A_771 = arith.index_cast %add3A_770 : i32 to index
      %swap3A_772 = arith.constant 96 : index
      %swap3A_773 = tpu.vector_load %arg8[%swap3A_771, %swap3A_772] {strides = array<i32>} : memref<256x128xf32, #tpu.memory_space<vmem>>, vector<1x16xf32>,
      %swap3A_774 = vector.shape_cast %swap3A_773 : vector<1x16xf32> to vector<16xf32>
      %swap3A_775 = vector.shape_cast %get3A_766 : vector<16xf32> to vector<1x16xf32>
      tpu.vector_store %arg8[%swap3A_771, %swap3A_772], %swap3A_775 {strides = array<i32>} : memref<256x128xf32, #tpu.memory_space<vmem>>, vector<1x16xf32>,
      %mul3A_776 = arith.constant 2 : i32
      %mul3A_777 = arith.muli %mul3A_776, %scan3A_558 : i32
      %add3A_778 = arith.constant 1 : i32
      %add3A_779 = arith.addi %mul3A_777, %add3A_778 : i32
      %get3A_780 = arith.index_cast %add3A_779 : i32 to index
      %get3A_781 = arith.constant 96 : index
      %get3A_782 = tpu.vector_load %arg7[%get3A_780, %get3A_781] {strides = array<i32>} : memref<64x128xf32, #tpu.memory_space<vmem>>, vector<1x16xf32>,
      %get3A_783 = vector.shape_cast %get3A_782 : vector<1x16xf32> to vector<16xf32>
      %mul3A_784 = arith.constant 2 : i32
      %mul3A_785 = arith.muli %mul3A_784, %scan3A_558 : i32
      %add3A_786 = arith.constant 128 : i32
      %add3A_787 = arith.addi %add3A_786, %mul3A_785 : i32
      %add3A_788 = arith.constant 1 : i32
      %add3A_789 = arith.addi %add3A_787, %add3A_788 : i32
      %swap3A_790 = arith.index_cast %add3A_789 : i32 to index
      %swap3A_791 = arith.constant 96 : index
      %swap3A_792 = tpu.vector_load %arg8[%swap3A_790, %swap3A_791] {strides = array<i32>} : memref<256x128xf32, #tpu.memory_space<vmem>>, vector<1x16xf32>,
      %swap3A_793 = vector.shape_cast %swap3A_792 : vector<1x16xf32> to vector<16xf32>
      %swap3A_794 = vector.shape_cast %get3A_783 : vector<16xf32> to vector<1x16xf32>
      tpu.vector_store %arg8[%swap3A_790, %swap3A_791], %swap3A_794 {strides = array<i32>} : memref<256x128xf32, #tpu.memory_space<vmem>>, vector<1x16xf32>,
      %mul3A_795 = arith.constant 2 : i32
      %mul3A_796 = arith.muli %mul3A_795, %scan3A_558 : i32
      %get3A_797 = arith.index_cast %mul3A_796 : i32 to index
      %get3A_798 = arith.constant 112 : index
      %get3A_799 = tpu.vector_load %arg7[%get3A_797, %get3A_798] {strides = array<i32>} : memref<64x128xf32, #tpu.memory_space<vmem>>, vector<1x16xf32>,
      %get3A_800 = vector.shape_cast %get3A_799 : vector<1x16xf32> to vector<16xf32>
      %mul3A_801 = arith.constant 2 : i32
      %mul3A_802 = arith.muli %mul3A_801, %scan3A_558 : i32
      %add3A_803 = arith.constant 128 : i32
      %add3A_804 = arith.addi %add3A_803, %mul3A_802 : i32
      %swap3A_805 = arith.index_cast %add3A_804 : i32 to index
      %swap3A_806 = arith.constant 112 : index
      %swap3A_807 = tpu.vector_load %arg8[%swap3A_805, %swap3A_806] {strides = array<i32>} : memref<256x128xf32, #tpu.memory_space<vmem>>, vector<1x16xf32>,
      %swap3A_808 = vector.shape_cast %swap3A_807 : vector<1x16xf32> to vector<16xf32>
      %swap3A_809 = vector.shape_cast %get3A_800 : vector<16xf32> to vector<1x16xf32>
      tpu.vector_store %arg8[%swap3A_805, %swap3A_806], %swap3A_809 {strides = array<i32>} : memref<256x128xf32, #tpu.memory_space<vmem>>, vector<1x16xf32>,
      %mul3A_810 = arith.constant 2 : i32
      %mul3A_811 = arith.muli %mul3A_810, %scan3A_558 : i32
      %add3A_812 = arith.constant 1 : i32
      %add3A_813 = arith.addi %mul3A_811, %add3A_812 : i32
      %get3A_814 = arith.index_cast %add3A_813 : i32 to index
      %get3A_815 = arith.constant 112 : index
      %get3A_816 = tpu.vector_load %arg7[%get3A_814, %get3A_815] {strides = array<i32>} : memref<64x128xf32, #tpu.memory_space<vmem>>, vector<1x16xf32>,
      %get3A_817 = vector.shape_cast %get3A_816 : vector<1x16xf32> to vector<16xf32>
      %mul3A_818 = arith.constant 2 : i32
      %mul3A_819 = arith.muli %mul3A_818, %scan3A_558 : i32
      %add3A_820 = arith.constant 128 : i32
      %add3A_821 = arith.addi %add3A_820, %mul3A_819 : i32
      %add3A_822 = arith.constant 1 : i32
      %add3A_823 = arith.addi %add3A_821, %add3A_822 : i32
      %swap3A_824 = arith.index_cast %add3A_823 : i32 to index
      %swap3A_825 = arith.constant 112 : index
      %swap3A_826 = tpu.vector_load %arg8[%swap3A_824, %swap3A_825] {strides = array<i32>} : memref<256x128xf32, #tpu.memory_space<vmem>>, vector<1x16xf32>,
      %swap3A_827 = vector.shape_cast %swap3A_826 : vector<1x16xf32> to vector<16xf32>
      %swap3A_828 = vector.shape_cast %get3A_817 : vector<16xf32> to vector<1x16xf32>
      tpu.vector_store %arg8[%swap3A_824, %swap3A_825], %swap3A_828 {strides = array<i32>} : memref<256x128xf32, #tpu.memory_space<vmem>>, vector<1x16xf32>,
    }
    %scan3A_183 = arith.constant 32 : i32
    %dma_start3A_184 = arith.constant 2 : i32
    %dma_start3A_185 = arith.constant 128 : i32
    %dma_start3A_186 = arith.constant 0 : i32
    %dma_start3A_187 = tpu.memref_slice %arg8[%dma_start3A_185, %dma_start3A_186] : memref<256x128xf32, #tpu.memory_space<vmem>> -> memref<32x128xf32, #tpu.memory_space<vmem>>
    %dma_start3A_188 = arith.constant 0 : i32
    %dma_start3A_189 = tpu.memref_slice %arg6[%dma_start3A_184, %dma_start3A_188] : memref<4x64xi32, #tpu.memory_space<vmem>> -> memref<1x64xi32, #tpu.memory_space<vmem>>
    %dma_start3A_190 = tpu.memref_squeeze %dma_start3A_189 : memref<1x64xi32, #tpu.memory_space<vmem>> -> memref<64xi32, #tpu.memory_space<vmem>>
    %dma_start3A_191 = arith.constant 0 : i32
    %dma_start3A_192 = tpu.memref_slice %dma_start3A_190[%dma_start3A_191] : memref<64xi32, #tpu.memory_space<vmem>> -> memref<32xi32, #tpu.memory_space<vmem>>
    %dma_start3A_193 = arith.constant 0 : i32
    %dma_start3A_194 = arith.constant 0 : i32
    %dma_start3A_195 = tpu.memref_slice %arg3[%dma_start3A_193, %dma_start3A_194] : memref<100000x128xf32, #tpu.memory_space<hbm>> -> memref<100000x128xf32, #tpu.memory_space<hbm>>
    tpu.enqueue_indirect_dma source(%dma_start3A_195 : memref<100000x128xf32, #tpu.memory_space<hbm>>) target(%dma_start3A_187 : memref<32x128xf32, #tpu.memory_space<vmem>>) offsets(%dma_start3A_192 : memref<32xi32, #tpu.memory_space<vmem>>) semaphore(%arg13 : memref<!tpu.dma_semaphore, #tpu.memory_space<semaphore_mem>>) {add = true}
    %dma_start3A_196 = arith.constant 2 : i32
    %dma_start3A_197 = arith.constant 160 : i32
    %dma_start3A_198 = arith.constant 0 : i32
    %dma_start3A_199 = tpu.memref_slice %arg8[%dma_start3A_197, %dma_start3A_198] : memref<256x128xf32, #tpu.memory_space<vmem>> -> memref<32x128xf32, #tpu.memory_space<vmem>>
    %dma_start3A_200 = arith.constant 0 : i32
    %dma_start3A_201 = tpu.memref_slice %arg6[%dma_start3A_196, %dma_start3A_200] : memref<4x64xi32, #tpu.memory_space<vmem>> -> memref<1x64xi32, #tpu.memory_space<vmem>>
    %dma_start3A_202 = tpu.memref_squeeze %dma_start3A_201 : memref<1x64xi32, #tpu.memory_space<vmem>> -> memref<64xi32, #tpu.memory_space<vmem>>
    %dma_start3A_203 = arith.constant 32 : i32
    %dma_start3A_204 = tpu.memref_slice %dma_start3A_202[%dma_start3A_203] : memref<64xi32, #tpu.memory_space<vmem>> -> memref<32xi32, #tpu.memory_space<vmem>>
    %dma_start3A_205 = arith.constant 0 : i32
    %dma_start3A_206 = arith.constant 0 : i32
    %dma_start3A_207 = tpu.memref_slice %arg3[%dma_start3A_205, %dma_start3A_206] : memref<100000x128xf32, #tpu.memory_space<hbm>> -> memref<100000x128xf32, #tpu.memory_space<hbm>>
    tpu.enqueue_indirect_dma source(%dma_start3A_207 : memref<100000x128xf32, #tpu.memory_space<hbm>>) target(%dma_start3A_199 : memref<32x128xf32, #tpu.memory_space<vmem>>) offsets(%dma_start3A_204 : memref<32xi32, #tpu.memory_space<vmem>>) semaphore(%arg14 : memref<!tpu.dma_semaphore, #tpu.memory_space<semaphore_mem>>) {add = true}
    %scan3A_208 = arith.constant 0 : i32
    %scan3A_209 = arith.constant 0 : i32
    %scan3A_210 = arith.constant 32 : i32
    %scan3A_211 = arith.addi %scan3A_209, %scan3A_210 : i32
    %scan3A_212 = arith.constant 1 : i32
    scf.for %scan3A_558 = %scan3A_209 to %scan3A_211 step %scan3A_212  : i32 {
      %mul3A_559 = arith.constant 2 : i32
      %mul3A_560 = arith.muli %mul3A_559, %scan3A_558 : i32
      %get3A = arith.index_cast %mul3A_560 : i32 to index
      %get3A_561 = arith.constant 0 : index
      %get3A_562 = tpu.vector_load %arg7[%get3A, %get3A_561] {strides = array<i32>} : memref<64x128xf32, #tpu.memory_space<vmem>>, vector<1x16xf32>,
      %get3A_563 = vector.shape_cast %get3A_562 : vector<1x16xf32> to vector<16xf32>
      %mul3A_564 = arith.constant 2 : i32
      %mul3A_565 = arith.muli %mul3A_564, %scan3A_558 : i32
      %add3A_566 = arith.constant 192 : i32
      %add3A_567 = arith.addi %add3A_566, %mul3A_565 : i32
      %swap3A = arith.index_cast %add3A_567 : i32 to index
      %swap3A_568 = arith.constant 0 : index
      %swap3A_569 = tpu.vector_load %arg8[%swap3A, %swap3A_568] {strides = array<i32>} : memref<256x128xf32, #tpu.memory_space<vmem>>, vector<1x16xf32>,
      %swap3A_570 = vector.shape_cast %swap3A_569 : vector<1x16xf32> to vector<16xf32>
      %swap3A_571 = vector.shape_cast %get3A_563 : vector<16xf32> to vector<1x16xf32>
      tpu.vector_store %arg8[%swap3A, %swap3A_568], %swap3A_571 {strides = array<i32>} : memref<256x128xf32, #tpu.memory_space<vmem>>, vector<1x16xf32>,
      %mul3A_572 = arith.constant 2 : i32
      %mul3A_573 = arith.muli %mul3A_572, %scan3A_558 : i32
      %add3A_574 = arith.constant 1 : i32
      %add3A_575 = arith.addi %mul3A_573, %add3A_574 : i32
      %get3A_576 = arith.index_cast %add3A_575 : i32 to index
      %get3A_577 = arith.constant 0 : index
      %get3A_578 = tpu.vector_load %arg7[%get3A_576, %get3A_577] {strides = array<i32>} : memref<64x128xf32, #tpu.memory_space<vmem>>, vector<1x16xf32>,
      %get3A_579 = vector.shape_cast %get3A_578 : vector<1x16xf32> to vector<16xf32>
      %mul3A_580 = arith.constant 2 : i32
      %mul3A_581 = arith.muli %mul3A_580, %scan3A_558 : i32
      %add3A_582 = arith.constant 192 : i32
      %add3A_583 = arith.addi %add3A_582, %mul3A_581 : i32
      %add3A_584 = arith.constant 1 : i32
      %add3A_585 = arith.addi %add3A_583, %add3A_584 : i32
      %swap3A_586 = arith.index_cast %add3A_585 : i32 to index
      %swap3A_587 = arith.constant 0 : index
      %swap3A_588 = tpu.vector_load %arg8[%swap3A_586, %swap3A_587] {strides = array<i32>} : memref<256x128xf32, #tpu.memory_space<vmem>>, vector<1x16xf32>,
      %swap3A_589 = vector.shape_cast %swap3A_588 : vector<1x16xf32> to vector<16xf32>
      %swap3A_590 = vector.shape_cast %get3A_579 : vector<16xf32> to vector<1x16xf32>
      tpu.vector_store %arg8[%swap3A_586, %swap3A_587], %swap3A_590 {strides = array<i32>} : memref<256x128xf32, #tpu.memory_space<vmem>>, vector<1x16xf32>,
      %mul3A_591 = arith.constant 2 : i32
      %mul3A_592 = arith.muli %mul3A_591, %scan3A_558 : i32
      %get3A_593 = arith.index_cast %mul3A_592 : i32 to index
      %get3A_594 = arith.constant 16 : index
      %get3A_595 = tpu.vector_load %arg7[%get3A_593, %get3A_594] {strides = array<i32>} : memref<64x128xf32, #tpu.memory_space<vmem>>, vector<1x16xf32>,
      %get3A_596 = vector.shape_cast %get3A_595 : vector<1x16xf32> to vector<16xf32>
      %mul3A_597 = arith.constant 2 : i32
      %mul3A_598 = arith.muli %mul3A_597, %scan3A_558 : i32
      %add3A_599 = arith.constant 192 : i32
      %add3A_600 = arith.addi %add3A_599, %mul3A_598 : i32
      %swap3A_601 = arith.index_cast %add3A_600 : i32 to index
      %swap3A_602 = arith.constant 16 : index
      %swap3A_603 = tpu.vector_load %arg8[%swap3A_601, %swap3A_602] {strides = array<i32>} : memref<256x128xf32, #tpu.memory_space<vmem>>, vector<1x16xf32>,
      %swap3A_604 = vector.shape_cast %swap3A_603 : vector<1x16xf32> to vector<16xf32>
      %swap3A_605 = vector.shape_cast %get3A_596 : vector<16xf32> to vector<1x16xf32>
      tpu.vector_store %arg8[%swap3A_601, %swap3A_602], %swap3A_605 {strides = array<i32>} : memref<256x128xf32, #tpu.memory_space<vmem>>, vector<1x16xf32>,
      %mul3A_606 = arith.constant 2 : i32
      %mul3A_607 = arith.muli %mul3A_606, %scan3A_558 : i32
      %add3A_608 = arith.constant 1 : i32
      %add3A_609 = arith.addi %mul3A_607, %add3A_608 : i32
      %get3A_610 = arith.index_cast %add3A_609 : i32 to index
      %get3A_611 = arith.constant 16 : index
      %get3A_612 = tpu.vector_load %arg7[%get3A_610, %get3A_611] {strides = array<i32>} : memref<64x128xf32, #tpu.memory_space<vmem>>, vector<1x16xf32>,
      %get3A_613 = vector.shape_cast %get3A_612 : vector<1x16xf32> to vector<16xf32>
      %mul3A_614 = arith.constant 2 : i32
      %mul3A_615 = arith.muli %mul3A_614, %scan3A_558 : i32
      %add3A_616 = arith.constant 192 : i32
      %add3A_617 = arith.addi %add3A_616, %mul3A_615 : i32
      %add3A_618 = arith.constant 1 : i32
      %add3A_619 = arith.addi %add3A_617, %add3A_618 : i32
      %swap3A_620 = arith.index_cast %add3A_619 : i32 to index
      %swap3A_621 = arith.constant 16 : index
      %swap3A_622 = tpu.vector_load %arg8[%swap3A_620, %swap3A_621] {strides = array<i32>} : memref<256x128xf32, #tpu.memory_space<vmem>>, vector<1x16xf32>,
      %swap3A_623 = vector.shape_cast %swap3A_622 : vector<1x16xf32> to vector<16xf32>
      %swap3A_624 = vector.shape_cast %get3A_613 : vector<16xf32> to vector<1x16xf32>
      tpu.vector_store %arg8[%swap3A_620, %swap3A_621], %swap3A_624 {strides = array<i32>} : memref<256x128xf32, #tpu.memory_space<vmem>>, vector<1x16xf32>,
      %mul3A_625 = arith.constant 2 : i32
      %mul3A_626 = arith.muli %mul3A_625, %scan3A_558 : i32
      %get3A_627 = arith.index_cast %mul3A_626 : i32 to index
      %get3A_628 = arith.constant 32 : index
      %get3A_629 = tpu.vector_load %arg7[%get3A_627, %get3A_628] {strides = array<i32>} : memref<64x128xf32, #tpu.memory_space<vmem>>, vector<1x16xf32>,
      %get3A_630 = vector.shape_cast %get3A_629 : vector<1x16xf32> to vector<16xf32>
      %mul3A_631 = arith.constant 2 : i32
      %mul3A_632 = arith.muli %mul3A_631, %scan3A_558 : i32
      %add3A_633 = arith.constant 192 : i32
      %add3A_634 = arith.addi %add3A_633, %mul3A_632 : i32
      %swap3A_635 = arith.index_cast %add3A_634 : i32 to index
      %swap3A_636 = arith.constant 32 : index
      %swap3A_637 = tpu.vector_load %arg8[%swap3A_635, %swap3A_636] {strides = array<i32>} : memref<256x128xf32, #tpu.memory_space<vmem>>, vector<1x16xf32>,
      %swap3A_638 = vector.shape_cast %swap3A_637 : vector<1x16xf32> to vector<16xf32>
      %swap3A_639 = vector.shape_cast %get3A_630 : vector<16xf32> to vector<1x16xf32>
      tpu.vector_store %arg8[%swap3A_635, %swap3A_636], %swap3A_639 {strides = array<i32>} : memref<256x128xf32, #tpu.memory_space<vmem>>, vector<1x16xf32>,
      %mul3A_640 = arith.constant 2 : i32
      %mul3A_641 = arith.muli %mul3A_640, %scan3A_558 : i32
      %add3A_642 = arith.constant 1 : i32
      %add3A_643 = arith.addi %mul3A_641, %add3A_642 : i32
      %get3A_644 = arith.index_cast %add3A_643 : i32 to index
      %get3A_645 = arith.constant 32 : index
      %get3A_646 = tpu.vector_load %arg7[%get3A_644, %get3A_645] {strides = array<i32>} : memref<64x128xf32, #tpu.memory_space<vmem>>, vector<1x16xf32>,
      %get3A_647 = vector.shape_cast %get3A_646 : vector<1x16xf32> to vector<16xf32>
      %mul3A_648 = arith.constant 2 : i32
      %mul3A_649 = arith.muli %mul3A_648, %scan3A_558 : i32
      %add3A_650 = arith.constant 192 : i32
      %add3A_651 = arith.addi %add3A_650, %mul3A_649 : i32
      %add3A_652 = arith.constant 1 : i32
      %add3A_653 = arith.addi %add3A_651, %add3A_652 : i32
      %swap3A_654 = arith.index_cast %add3A_653 : i32 to index
      %swap3A_655 = arith.constant 32 : index
      %swap3A_656 = tpu.vector_load %arg8[%swap3A_654, %swap3A_655] {strides = array<i32>} : memref<256x128xf32, #tpu.memory_space<vmem>>, vector<1x16xf32>,
      %swap3A_657 = vector.shape_cast %swap3A_656 : vector<1x16xf32> to vector<16xf32>
      %swap3A_658 = vector.shape_cast %get3A_647 : vector<16xf32> to vector<1x16xf32>
      tpu.vector_store %arg8[%swap3A_654, %swap3A_655], %swap3A_658 {strides = array<i32>} : memref<256x128xf32, #tpu.memory_space<vmem>>, vector<1x16xf32>,
      %mul3A_659 = arith.constant 2 : i32
      %mul3A_660 = arith.muli %mul3A_659, %scan3A_558 : i32
      %get3A_661 = arith.index_cast %mul3A_660 : i32 to index
      %get3A_662 = arith.constant 48 : index
      %get3A_663 = tpu.vector_load %arg7[%get3A_661, %get3A_662] {strides = array<i32>} : memref<64x128xf32, #tpu.memory_space<vmem>>, vector<1x16xf32>,
      %get3A_664 = vector.shape_cast %get3A_663 : vector<1x16xf32> to vector<16xf32>
      %mul3A_665 = arith.constant 2 : i32
      %mul3A_666 = arith.muli %mul3A_665, %scan3A_558 : i32
      %add3A_667 = arith.constant 192 : i32
      %add3A_668 = arith.addi %add3A_667, %mul3A_666 : i32
      %swap3A_669 = arith.index_cast %add3A_668 : i32 to index
      %swap3A_670 = arith.constant 48 : index
      %swap3A_671 = tpu.vector_load %arg8[%swap3A_669, %swap3A_670] {strides = array<i32>} : memref<256x128xf32, #tpu.memory_space<vmem>>, vector<1x16xf32>,
      %swap3A_672 = vector.shape_cast %swap3A_671 : vector<1x16xf32> to vector<16xf32>
      %swap3A_673 = vector.shape_cast %get3A_664 : vector<16xf32> to vector<1x16xf32>
      tpu.vector_store %arg8[%swap3A_669, %swap3A_670], %swap3A_673 {strides = array<i32>} : memref<256x128xf32, #tpu.memory_space<vmem>>, vector<1x16xf32>,
      %mul3A_674 = arith.constant 2 : i32
      %mul3A_675 = arith.muli %mul3A_674, %scan3A_558 : i32
      %add3A_676 = arith.constant 1 : i32
      %add3A_677 = arith.addi %mul3A_675, %add3A_676 : i32
      %get3A_678 = arith.index_cast %add3A_677 : i32 to index
      %get3A_679 = arith.constant 48 : index
      %get3A_680 = tpu.vector_load %arg7[%get3A_678, %get3A_679] {strides = array<i32>} : memref<64x128xf32, #tpu.memory_space<vmem>>, vector<1x16xf32>,
      %get3A_681 = vector.shape_cast %get3A_680 : vector<1x16xf32> to vector<16xf32>
      %mul3A_682 = arith.constant 2 : i32
      %mul3A_683 = arith.muli %mul3A_682, %scan3A_558 : i32
      %add3A_684 = arith.constant 192 : i32
      %add3A_685 = arith.addi %add3A_684, %mul3A_683 : i32
      %add3A_686 = arith.constant 1 : i32
      %add3A_687 = arith.addi %add3A_685, %add3A_686 : i32
      %swap3A_688 = arith.index_cast %add3A_687 : i32 to index
      %swap3A_689 = arith.constant 48 : index
      %swap3A_690 = tpu.vector_load %arg8[%swap3A_688, %swap3A_689] {strides = array<i32>} : memref<256x128xf32, #tpu.memory_space<vmem>>, vector<1x16xf32>,
      %swap3A_691 = vector.shape_cast %swap3A_690 : vector<1x16xf32> to vector<16xf32>
      %swap3A_692 = vector.shape_cast %get3A_681 : vector<16xf32> to vector<1x16xf32>
      tpu.vector_store %arg8[%swap3A_688, %swap3A_689], %swap3A_692 {strides = array<i32>} : memref<256x128xf32, #tpu.memory_space<vmem>>, vector<1x16xf32>,
      %mul3A_693 = arith.constant 2 : i32
      %mul3A_694 = arith.muli %mul3A_693, %scan3A_558 : i32
      %get3A_695 = arith.index_cast %mul3A_694 : i32 to index
      %get3A_696 = arith.constant 64 : index
      %get3A_697 = tpu.vector_load %arg7[%get3A_695, %get3A_696] {strides = array<i32>} : memref<64x128xf32, #tpu.memory_space<vmem>>, vector<1x16xf32>,
      %get3A_698 = vector.shape_cast %get3A_697 : vector<1x16xf32> to vector<16xf32>
      %mul3A_699 = arith.constant 2 : i32
      %mul3A_700 = arith.muli %mul3A_699, %scan3A_558 : i32
      %add3A_701 = arith.constant 192 : i32
      %add3A_702 = arith.addi %add3A_701, %mul3A_700 : i32
      %swap3A_703 = arith.index_cast %add3A_702 : i32 to index
      %swap3A_704 = arith.constant 64 : index
      %swap3A_705 = tpu.vector_load %arg8[%swap3A_703, %swap3A_704] {strides = array<i32>} : memref<256x128xf32, #tpu.memory_space<vmem>>, vector<1x16xf32>,
      %swap3A_706 = vector.shape_cast %swap3A_705 : vector<1x16xf32> to vector<16xf32>
      %swap3A_707 = vector.shape_cast %get3A_698 : vector<16xf32> to vector<1x16xf32>
      tpu.vector_store %arg8[%swap3A_703, %swap3A_704], %swap3A_707 {strides = array<i32>} : memref<256x128xf32, #tpu.memory_space<vmem>>, vector<1x16xf32>,
      %mul3A_708 = arith.constant 2 : i32
      %mul3A_709 = arith.muli %mul3A_708, %scan3A_558 : i32
      %add3A_710 = arith.constant 1 : i32
      %add3A_711 = arith.addi %mul3A_709, %add3A_710 : i32
      %get3A_712 = arith.index_cast %add3A_711 : i32 to index
      %get3A_713 = arith.constant 64 : index
      %get3A_714 = tpu.vector_load %arg7[%get3A_712, %get3A_713] {strides = array<i32>} : memref<64x128xf32, #tpu.memory_space<vmem>>, vector<1x16xf32>,
      %get3A_715 = vector.shape_cast %get3A_714 : vector<1x16xf32> to vector<16xf32>
      %mul3A_716 = arith.constant 2 : i32
      %mul3A_717 = arith.muli %mul3A_716, %scan3A_558 : i32
      %add3A_718 = arith.constant 192 : i32
      %add3A_719 = arith.addi %add3A_718, %mul3A_717 : i32
      %add3A_720 = arith.constant 1 : i32
      %add3A_721 = arith.addi %add3A_719, %add3A_720 : i32
      %swap3A_722 = arith.index_cast %add3A_721 : i32 to index
      %swap3A_723 = arith.constant 64 : index
      %swap3A_724 = tpu.vector_load %arg8[%swap3A_722, %swap3A_723] {strides = array<i32>} : memref<256x128xf32, #tpu.memory_space<vmem>>, vector<1x16xf32>,
      %swap3A_725 = vector.shape_cast %swap3A_724 : vector<1x16xf32> to vector<16xf32>
      %swap3A_726 = vector.shape_cast %get3A_715 : vector<16xf32> to vector<1x16xf32>
      tpu.vector_store %arg8[%swap3A_722, %swap3A_723], %swap3A_726 {strides = array<i32>} : memref<256x128xf32, #tpu.memory_space<vmem>>, vector<1x16xf32>,
      %mul3A_727 = arith.constant 2 : i32
      %mul3A_728 = arith.muli %mul3A_727, %scan3A_558 : i32
      %get3A_729 = arith.index_cast %mul3A_728 : i32 to index
      %get3A_730 = arith.constant 80 : index
      %get3A_731 = tpu.vector_load %arg7[%get3A_729, %get3A_730] {strides = array<i32>} : memref<64x128xf32, #tpu.memory_space<vmem>>, vector<1x16xf32>,
      %get3A_732 = vector.shape_cast %get3A_731 : vector<1x16xf32> to vector<16xf32>
      %mul3A_733 = arith.constant 2 : i32
      %mul3A_734 = arith.muli %mul3A_733, %scan3A_558 : i32
      %add3A_735 = arith.constant 192 : i32
      %add3A_736 = arith.addi %add3A_735, %mul3A_734 : i32
      %swap3A_737 = arith.index_cast %add3A_736 : i32 to index
      %swap3A_738 = arith.constant 80 : index
      %swap3A_739 = tpu.vector_load %arg8[%swap3A_737, %swap3A_738] {strides = array<i32>} : memref<256x128xf32, #tpu.memory_space<vmem>>, vector<1x16xf32>,
      %swap3A_740 = vector.shape_cast %swap3A_739 : vector<1x16xf32> to vector<16xf32>
      %swap3A_741 = vector.shape_cast %get3A_732 : vector<16xf32> to vector<1x16xf32>
      tpu.vector_store %arg8[%swap3A_737, %swap3A_738], %swap3A_741 {strides = array<i32>} : memref<256x128xf32, #tpu.memory_space<vmem>>, vector<1x16xf32>,
      %mul3A_742 = arith.constant 2 : i32
      %mul3A_743 = arith.muli %mul3A_742, %scan3A_558 : i32
      %add3A_744 = arith.constant 1 : i32
      %add3A_745 = arith.addi %mul3A_743, %add3A_744 : i32
      %get3A_746 = arith.index_cast %add3A_745 : i32 to index
      %get3A_747 = arith.constant 80 : index
      %get3A_748 = tpu.vector_load %arg7[%get3A_746, %get3A_747] {strides = array<i32>} : memref<64x128xf32, #tpu.memory_space<vmem>>, vector<1x16xf32>,
      %get3A_749 = vector.shape_cast %get3A_748 : vector<1x16xf32> to vector<16xf32>
      %mul3A_750 = arith.constant 2 : i32
      %mul3A_751 = arith.muli %mul3A_750, %scan3A_558 : i32
      %add3A_752 = arith.constant 192 : i32
      %add3A_753 = arith.addi %add3A_752, %mul3A_751 : i32
      %add3A_754 = arith.constant 1 : i32
      %add3A_755 = arith.addi %add3A_753, %add3A_754 : i32
      %swap3A_756 = arith.index_cast %add3A_755 : i32 to index
      %swap3A_757 = arith.constant 80 : index
      %swap3A_758 = tpu.vector_load %arg8[%swap3A_756, %swap3A_757] {strides = array<i32>} : memref<256x128xf32, #tpu.memory_space<vmem>>, vector<1x16xf32>,
      %swap3A_759 = vector.shape_cast %swap3A_758 : vector<1x16xf32> to vector<16xf32>
      %swap3A_760 = vector.shape_cast %get3A_749 : vector<16xf32> to vector<1x16xf32>
      tpu.vector_store %arg8[%swap3A_756, %swap3A_757], %swap3A_760 {strides = array<i32>} : memref<256x128xf32, #tpu.memory_space<vmem>>, vector<1x16xf32>,
      %mul3A_761 = arith.constant 2 : i32
      %mul3A_762 = arith.muli %mul3A_761, %scan3A_558 : i32
      %get3A_763 = arith.index_cast %mul3A_762 : i32 to index
      %get3A_764 = arith.constant 96 : index
      %get3A_765 = tpu.vector_load %arg7[%get3A_763, %get3A_764] {strides = array<i32>} : memref<64x128xf32, #tpu.memory_space<vmem>>, vector<1x16xf32>,
      %get3A_766 = vector.shape_cast %get3A_765 : vector<1x16xf32> to vector<16xf32>
      %mul3A_767 = arith.constant 2 : i32
      %mul3A_768 = arith.muli %mul3A_767, %scan3A_558 : i32
      %add3A_769 = arith.constant 192 : i32
      %add3A_770 = arith.addi %add3A_769, %mul3A_768 : i32
      %swap3A_771 = arith.index_cast %add3A_770 : i32 to index
      %swap3A_772 = arith.constant 96 : index
      %swap3A_773 = tpu.vector_load %arg8[%swap3A_771, %swap3A_772] {strides = array<i32>} : memref<256x128xf32, #tpu.memory_space<vmem>>, vector<1x16xf32>,
      %swap3A_774 = vector.shape_cast %swap3A_773 : vector<1x16xf32> to vector<16xf32>
      %swap3A_775 = vector.shape_cast %get3A_766 : vector<16xf32> to vector<1x16xf32>
      tpu.vector_store %arg8[%swap3A_771, %swap3A_772], %swap3A_775 {strides = array<i32>} : memref<256x128xf32, #tpu.memory_space<vmem>>, vector<1x16xf32>,
      %mul3A_776 = arith.constant 2 : i32
      %mul3A_777 = arith.muli %mul3A_776, %scan3A_558 : i32
      %add3A_778 = arith.constant 1 : i32
      %add3A_779 = arith.addi %mul3A_777, %add3A_778 : i32
      %get3A_780 = arith.index_cast %add3A_779 : i32 to index
      %get3A_781 = arith.constant 96 : index
      %get3A_782 = tpu.vector_load %arg7[%get3A_780, %get3A_781] {strides = array<i32>} : memref<64x128xf32, #tpu.memory_space<vmem>>, vector<1x16xf32>,
      %get3A_783 = vector.shape_cast %get3A_782 : vector<1x16xf32> to vector<16xf32>
      %mul3A_784 = arith.constant 2 : i32
      %mul3A_785 = arith.muli %mul3A_784, %scan3A_558 : i32
      %add3A_786 = arith.constant 192 : i32
      %add3A_787 = arith.addi %add3A_786, %mul3A_785 : i32
      %add3A_788 = arith.constant 1 : i32
      %add3A_789 = arith.addi %add3A_787, %add3A_788 : i32
      %swap3A_790 = arith.index_cast %add3A_789 : i32 to index
      %swap3A_791 = arith.constant 96 : index
      %swap3A_792 = tpu.vector_load %arg8[%swap3A_790, %swap3A_791] {strides = array<i32>} : memref<256x128xf32, #tpu.memory_space<vmem>>, vector<1x16xf32>,
      %swap3A_793 = vector.shape_cast %swap3A_792 : vector<1x16xf32> to vector<16xf32>
      %swap3A_794 = vector.shape_cast %get3A_783 : vector<16xf32> to vector<1x16xf32>
      tpu.vector_store %arg8[%swap3A_790, %swap3A_791], %swap3A_794 {strides = array<i32>} : memref<256x128xf32, #tpu.memory_space<vmem>>, vector<1x16xf32>,
      %mul3A_795 = arith.constant 2 : i32
      %mul3A_796 = arith.muli %mul3A_795, %scan3A_558 : i32
      %get3A_797 = arith.index_cast %mul3A_796 : i32 to index
      %get3A_798 = arith.constant 112 : index
      %get3A_799 = tpu.vector_load %arg7[%get3A_797, %get3A_798] {strides = array<i32>} : memref<64x128xf32, #tpu.memory_space<vmem>>, vector<1x16xf32>,
      %get3A_800 = vector.shape_cast %get3A_799 : vector<1x16xf32> to vector<16xf32>
      %mul3A_801 = arith.constant 2 : i32
      %mul3A_802 = arith.muli %mul3A_801, %scan3A_558 : i32
      %add3A_803 = arith.constant 192 : i32
      %add3A_804 = arith.addi %add3A_803, %mul3A_802 : i32
      %swap3A_805 = arith.index_cast %add3A_804 : i32 to index
      %swap3A_806 = arith.constant 112 : index
      %swap3A_807 = tpu.vector_load %arg8[%swap3A_805, %swap3A_806] {strides = array<i32>} : memref<256x128xf32, #tpu.memory_space<vmem>>, vector<1x16xf32>,
      %swap3A_808 = vector.shape_cast %swap3A_807 : vector<1x16xf32> to vector<16xf32>
      %swap3A_809 = vector.shape_cast %get3A_800 : vector<16xf32> to vector<1x16xf32>
      tpu.vector_store %arg8[%swap3A_805, %swap3A_806], %swap3A_809 {strides = array<i32>} : memref<256x128xf32, #tpu.memory_space<vmem>>, vector<1x16xf32>,
      %mul3A_810 = arith.constant 2 : i32
      %mul3A_811 = arith.muli %mul3A_810, %scan3A_558 : i32
      %add3A_812 = arith.constant 1 : i32
      %add3A_813 = arith.addi %mul3A_811, %add3A_812 : i32
      %get3A_814 = arith.index_cast %add3A_813 : i32 to index
      %get3A_815 = arith.constant 112 : index
      %get3A_816 = tpu.vector_load %arg7[%get3A_814, %get3A_815] {strides = array<i32>} : memref<64x128xf32, #tpu.memory_space<vmem>>, vector<1x16xf32>,
      %get3A_817 = vector.shape_cast %get3A_816 : vector<1x16xf32> to vector<16xf32>
      %mul3A_818 = arith.constant 2 : i32
      %mul3A_819 = arith.muli %mul3A_818, %scan3A_558 : i32
      %add3A_820 = arith.constant 192 : i32
      %add3A_821 = arith.addi %add3A_820, %mul3A_819 : i32
      %add3A_822 = arith.constant 1 : i32
      %add3A_823 = arith.addi %add3A_821, %add3A_822 : i32
      %swap3A_824 = arith.index_cast %add3A_823 : i32 to index
      %swap3A_825 = arith.constant 112 : index
      %swap3A_826 = tpu.vector_load %arg8[%swap3A_824, %swap3A_825] {strides = array<i32>} : memref<256x128xf32, #tpu.memory_space<vmem>>, vector<1x16xf32>,
      %swap3A_827 = vector.shape_cast %swap3A_826 : vector<1x16xf32> to vector<16xf32>
      %swap3A_828 = vector.shape_cast %get3A_817 : vector<16xf32> to vector<1x16xf32>
      tpu.vector_store %arg8[%swap3A_824, %swap3A_825], %swap3A_828 {strides = array<i32>} : memref<256x128xf32, #tpu.memory_space<vmem>>, vector<1x16xf32>,
    }
    %scan3A_213 = arith.constant 32 : i32
    %dma_start3A_214 = arith.constant 3 : i32
    %dma_start3A_215 = arith.constant 192 : i32
    %dma_start3A_216 = arith.constant 0 : i32
    %dma_start3A_217 = tpu.memref_slice %arg8[%dma_start3A_215, %dma_start3A_216] : memref<256x128xf32, #tpu.memory_space<vmem>> -> memref<32x128xf32, #tpu.memory_space<vmem>>
    %dma_start3A_218 = arith.constant 0 : i32
    %dma_start3A_219 = tpu.memref_slice %arg6[%dma_start3A_214, %dma_start3A_218] : memref<4x64xi32, #tpu.memory_space<vmem>> -> memref<1x64xi32, #tpu.memory_space<vmem>>
    %dma_start3A_220 = tpu.memref_squeeze %dma_start3A_219 : memref<1x64xi32, #tpu.memory_space<vmem>> -> memref<64xi32, #tpu.memory_space<vmem>>
    %dma_start3A_221 = arith.constant 0 : i32
    %dma_start3A_222 = tpu.memref_slice %dma_start3A_220[%dma_start3A_221] : memref<64xi32, #tpu.memory_space<vmem>> -> memref<32xi32, #tpu.memory_space<vmem>>
    %dma_start3A_223 = arith.constant 0 : i32
    %dma_start3A_224 = arith.constant 0 : i32
    %dma_start3A_225 = tpu.memref_slice %arg3[%dma_start3A_223, %dma_start3A_224] : memref<100000x128xf32, #tpu.memory_space<hbm>> -> memref<100000x128xf32, #tpu.memory_space<hbm>>
    tpu.enqueue_indirect_dma source(%dma_start3A_225 : memref<100000x128xf32, #tpu.memory_space<hbm>>) target(%dma_start3A_217 : memref<32x128xf32, #tpu.memory_space<vmem>>) offsets(%dma_start3A_222 : memref<32xi32, #tpu.memory_space<vmem>>) semaphore(%arg15 : memref<!tpu.dma_semaphore, #tpu.memory_space<semaphore_mem>>) {add = true}
    %dma_start3A_226 = arith.constant 3 : i32
    %dma_start3A_227 = arith.constant 224 : i32
    %dma_start3A_228 = arith.constant 0 : i32
    %dma_start3A_229 = tpu.memref_slice %arg8[%dma_start3A_227, %dma_start3A_228] : memref<256x128xf32, #tpu.memory_space<vmem>> -> memref<32x128xf32, #tpu.memory_space<vmem>>
    %dma_start3A_230 = arith.constant 0 : i32
    %dma_start3A_231 = tpu.memref_slice %arg6[%dma_start3A_226, %dma_start3A_230] : memref<4x64xi32, #tpu.memory_space<vmem>> -> memref<1x64xi32, #tpu.memory_space<vmem>>
    %dma_start3A_232 = tpu.memref_squeeze %dma_start3A_231 : memref<1x64xi32, #tpu.memory_space<vmem>> -> memref<64xi32, #tpu.memory_space<vmem>>
    %dma_start3A_233 = arith.constant 32 : i32
    %dma_start3A_234 = tpu.memref_slice %dma_start3A_232[%dma_start3A_233] : memref<64xi32, #tpu.memory_space<vmem>> -> memref<32xi32, #tpu.memory_space<vmem>>
    %dma_start3A_235 = arith.constant 0 : i32
    %dma_start3A_236 = arith.constant 0 : i32
    %dma_start3A_237 = tpu.memref_slice %arg3[%dma_start3A_235, %dma_start3A_236] : memref<100000x128xf32, #tpu.memory_space<hbm>> -> memref<100000x128xf32, #tpu.memory_space<hbm>>
    tpu.enqueue_indirect_dma source(%dma_start3A_237 : memref<100000x128xf32, #tpu.memory_space<hbm>>) target(%dma_start3A_229 : memref<32x128xf32, #tpu.memory_space<vmem>>) offsets(%dma_start3A_234 : memref<32xi32, #tpu.memory_space<vmem>>) semaphore(%arg16 : memref<!tpu.dma_semaphore, #tpu.memory_space<semaphore_mem>>) {add = true}
    %dma_wait3A_238 = arith.constant 0 : i32
    %dma_wait3A_239 = arith.constant 0 : i32
    %dma_wait3A_240 = arith.constant 0 : i32
    %dma_wait3A_241 = tpu.memref_slice %arg8[%dma_wait3A_239, %dma_wait3A_240] : memref<256x128xf32, #tpu.memory_space<vmem>> -> memref<32x128xf32, #tpu.memory_space<vmem>>
    %dma_wait3A_242 = arith.constant 0 : i32
    %dma_wait3A_243 = tpu.memref_slice %arg6[%dma_wait3A_238, %dma_wait3A_242] : memref<4x64xi32, #tpu.memory_space<vmem>> -> memref<1x64xi32, #tpu.memory_space<vmem>>
    %dma_wait3A_244 = tpu.memref_squeeze %dma_wait3A_243 : memref<1x64xi32, #tpu.memory_space<vmem>> -> memref<64xi32, #tpu.memory_space<vmem>>
    %dma_wait3A_245 = arith.constant 0 : i32
    %dma_wait3A_246 = tpu.memref_slice %dma_wait3A_244[%dma_wait3A_245] : memref<64xi32, #tpu.memory_space<vmem>> -> memref<32xi32, #tpu.memory_space<vmem>>
    %dma_wait3A_247 = arith.constant 0 : i32
    %dma_wait3A_248 = arith.constant 0 : i32
    %dma_wait3A_249 = tpu.memref_slice %arg3[%dma_wait3A_247, %dma_wait3A_248] : memref<100000x128xf32, #tpu.memory_space<hbm>> -> memref<100000x128xf32, #tpu.memory_space<hbm>>
    tpu.wait_indirect_dma semaphore(%arg9 : memref<!tpu.dma_semaphore, #tpu.memory_space<semaphore_mem>>) src(%dma_wait3A_249 : memref<100000x128xf32, #tpu.memory_space<hbm>>) dst(%dma_wait3A_241 : memref<32x128xf32, #tpu.memory_space<vmem>>)
    %add3A_250 = arith.constant 0 : i32
    %add3A_251 = arith.addi %mul3A_2, %add3A_250 : i32
    %dma_start3A_252 = arith.constant 0 : i32
    %dma_start3A_253 = arith.constant 0 : i32
    %dma_start3A_254 = arith.constant 0 : i32
    %dma_start3A_255 = tpu.memref_slice %arg8[%dma_start3A_253, %dma_start3A_254] : memref<256x128xf32, #tpu.memory_space<vmem>> -> memref<32x128xf32, #tpu.memory_space<vmem>>
    %dma_start3A_256 = arith.constant 0 : i32
    %dma_start3A_257 = tpu.memref_slice %arg5[%dma_start3A_252, %add3A_251, %dma_start3A_256] : memref<4x2048x128xf32, #tpu.memory_space<hbm>> -> memref<1x32x128xf32, #tpu.memory_space<hbm>>
    %dma_start3A_258 = tpu.memref_squeeze %dma_start3A_257 : memref<1x32x128xf32, #tpu.memory_space<hbm>> -> memref<32x128xf32, #tpu.memory_space<hbm>>
    %dma_start3A_259 = arith.constant 0 : i32
    %dma_start3A_260 = tpu.memref_slice %arg5[%dma_start3A_252, %add3A_251, %dma_start3A_259] : memref<4x2048x128xf32, #tpu.memory_space<hbm>> -> memref<1x32x128xf32, #tpu.memory_space<hbm>>
    %dma_start3A_261 = tpu.memref_squeeze %dma_start3A_260 : memref<1x32x128xf32, #tpu.memory_space<hbm>> -> memref<32x128xf32, #tpu.memory_space<hbm>>
    %dma_start3A_262 = arith.constant 0 : i32
    %dma_start3A_263 = arith.constant 0 : i32
    %dma_start3A_264 = tpu.memref_slice %arg8[%dma_start3A_262, %dma_start3A_263] : memref<256x128xf32, #tpu.memory_space<vmem>> -> memref<32x128xf32, #tpu.memory_space<vmem>>
    tpu.enqueue_dma source(%dma_start3A_264 : memref<32x128xf32, #tpu.memory_space<vmem>>) target(%dma_start3A_261 : memref<32x128xf32, #tpu.memory_space<hbm>>) target_semaphore(%arg19 : memref<!tpu.dma_semaphore, #tpu.memory_space<semaphore_mem>>)
    %dma_wait3A_265 = arith.constant 0 : i32
    %dma_wait3A_266 = arith.constant 32 : i32
    %dma_wait3A_267 = arith.constant 0 : i32
    %dma_wait3A_268 = tpu.memref_slice %arg8[%dma_wait3A_266, %dma_wait3A_267] : memref<256x128xf32, #tpu.memory_space<vmem>> -> memref<32x128xf32, #tpu.memory_space<vmem>>
    %dma_wait3A_269 = arith.constant 0 : i32
    %dma_wait3A_270 = tpu.memref_slice %arg6[%dma_wait3A_265, %dma_wait3A_269] : memref<4x64xi32, #tpu.memory_space<vmem>> -> memref<1x64xi32, #tpu.memory_space<vmem>>
    %dma_wait3A_271 = tpu.memref_squeeze %dma_wait3A_270 : memref<1x64xi32, #tpu.memory_space<vmem>> -> memref<64xi32, #tpu.memory_space<vmem>>
    %dma_wait3A_272 = arith.constant 32 : i32
    %dma_wait3A_273 = tpu.memref_slice %dma_wait3A_271[%dma_wait3A_272] : memref<64xi32, #tpu.memory_space<vmem>> -> memref<32xi32, #tpu.memory_space<vmem>>
    %dma_wait3A_274 = arith.constant 0 : i32
    %dma_wait3A_275 = arith.constant 0 : i32
    %dma_wait3A_276 = tpu.memref_slice %arg3[%dma_wait3A_274, %dma_wait3A_275] : memref<100000x128xf32, #tpu.memory_space<hbm>> -> memref<100000x128xf32, #tpu.memory_space<hbm>>
    tpu.wait_indirect_dma semaphore(%arg10 : memref<!tpu.dma_semaphore, #tpu.memory_space<semaphore_mem>>) src(%dma_wait3A_276 : memref<100000x128xf32, #tpu.memory_space<hbm>>) dst(%dma_wait3A_268 : memref<32x128xf32, #tpu.memory_space<vmem>>)
    %add3A_277 = arith.constant 32 : i32
    %add3A_278 = arith.addi %mul3A_2, %add3A_277 : i32
    %dma_start3A_279 = arith.constant 0 : i32
    %dma_start3A_280 = arith.constant 32 : i32
    %dma_start3A_281 = arith.constant 0 : i32
    %dma_start3A_282 = tpu.memref_slice %arg8[%dma_start3A_280, %dma_start3A_281] : memref<256x128xf32, #tpu.memory_space<vmem>> -> memref<32x128xf32, #tpu.memory_space<vmem>>
    %dma_start3A_283 = arith.constant 0 : i32
    %dma_start3A_284 = tpu.memref_slice %arg5[%dma_start3A_279, %add3A_278, %dma_start3A_283] : memref<4x2048x128xf32, #tpu.memory_space<hbm>> -> memref<1x32x128xf32, #tpu.memory_space<hbm>>
    %dma_start3A_285 = tpu.memref_squeeze %dma_start3A_284 : memref<1x32x128xf32, #tpu.memory_space<hbm>> -> memref<32x128xf32, #tpu.memory_space<hbm>>
    %dma_start3A_286 = arith.constant 0 : i32
    %dma_start3A_287 = tpu.memref_slice %arg5[%dma_start3A_279, %add3A_278, %dma_start3A_286] : memref<4x2048x128xf32, #tpu.memory_space<hbm>> -> memref<1x32x128xf32, #tpu.memory_space<hbm>>
    %dma_start3A_288 = tpu.memref_squeeze %dma_start3A_287 : memref<1x32x128xf32, #tpu.memory_space<hbm>> -> memref<32x128xf32, #tpu.memory_space<hbm>>
    %dma_start3A_289 = arith.constant 32 : i32
    %dma_start3A_290 = arith.constant 0 : i32
    %dma_start3A_291 = tpu.memref_slice %arg8[%dma_start3A_289, %dma_start3A_290] : memref<256x128xf32, #tpu.memory_space<vmem>> -> memref<32x128xf32, #tpu.memory_space<vmem>>
    tpu.enqueue_dma source(%dma_start3A_291 : memref<32x128xf32, #tpu.memory_space<vmem>>) target(%dma_start3A_288 : memref<32x128xf32, #tpu.memory_space<hbm>>) target_semaphore(%arg19 : memref<!tpu.dma_semaphore, #tpu.memory_space<semaphore_mem>>)
    %dma_wait3A_292 = arith.constant 1 : i32
    %dma_wait3A_293 = arith.constant 64 : i32
    %dma_wait3A_294 = arith.constant 0 : i32
    %dma_wait3A_295 = tpu.memref_slice %arg8[%dma_wait3A_293, %dma_wait3A_294] : memref<256x128xf32, #tpu.memory_space<vmem>> -> memref<32x128xf32, #tpu.memory_space<vmem>>
    %dma_wait3A_296 = arith.constant 0 : i32
    %dma_wait3A_297 = tpu.memref_slice %arg6[%dma_wait3A_292, %dma_wait3A_296] : memref<4x64xi32, #tpu.memory_space<vmem>> -> memref<1x64xi32, #tpu.memory_space<vmem>>
    %dma_wait3A_298 = tpu.memref_squeeze %dma_wait3A_297 : memref<1x64xi32, #tpu.memory_space<vmem>> -> memref<64xi32, #tpu.memory_space<vmem>>
    %dma_wait3A_299 = arith.constant 0 : i32
    %dma_wait3A_300 = tpu.memref_slice %dma_wait3A_298[%dma_wait3A_299] : memref<64xi32, #tpu.memory_space<vmem>> -> memref<32xi32, #tpu.memory_space<vmem>>
    %dma_wait3A_301 = arith.constant 0 : i32
    %dma_wait3A_302 = arith.constant 0 : i32
    %dma_wait3A_303 = tpu.memref_slice %arg3[%dma_wait3A_301, %dma_wait3A_302] : memref<100000x128xf32, #tpu.memory_space<hbm>> -> memref<100000x128xf32, #tpu.memory_space<hbm>>
    tpu.wait_indirect_dma semaphore(%arg11 : memref<!tpu.dma_semaphore, #tpu.memory_space<semaphore_mem>>) src(%dma_wait3A_303 : memref<100000x128xf32, #tpu.memory_space<hbm>>) dst(%dma_wait3A_295 : memref<32x128xf32, #tpu.memory_space<vmem>>)
    %add3A_304 = arith.constant 0 : i32
    %add3A_305 = arith.addi %mul3A_2, %add3A_304 : i32
    %dma_start3A_306 = arith.constant 1 : i32
    %dma_start3A_307 = arith.constant 64 : i32
    %dma_start3A_308 = arith.constant 0 : i32
    %dma_start3A_309 = tpu.memref_slice %arg8[%dma_start3A_307, %dma_start3A_308] : memref<256x128xf32, #tpu.memory_space<vmem>> -> memref<32x128xf32, #tpu.memory_space<vmem>>
    %dma_start3A_310 = arith.constant 0 : i32
    %dma_start3A_311 = tpu.memref_slice %arg5[%dma_start3A_306, %add3A_305, %dma_start3A_310] : memref<4x2048x128xf32, #tpu.memory_space<hbm>> -> memref<1x32x128xf32, #tpu.memory_space<hbm>>
    %dma_start3A_312 = tpu.memref_squeeze %dma_start3A_311 : memref<1x32x128xf32, #tpu.memory_space<hbm>> -> memref<32x128xf32, #tpu.memory_space<hbm>>
    %dma_start3A_313 = arith.constant 0 : i32
    %dma_start3A_314 = tpu.memref_slice %arg5[%dma_start3A_306, %add3A_305, %dma_start3A_313] : memref<4x2048x128xf32, #tpu.memory_space<hbm>> -> memref<1x32x128xf32, #tpu.memory_space<hbm>>
    %dma_start3A_315 = tpu.memref_squeeze %dma_start3A_314 : memref<1x32x128xf32, #tpu.memory_space<hbm>> -> memref<32x128xf32, #tpu.memory_space<hbm>>
    %dma_start3A_316 = arith.constant 64 : i32
    %dma_start3A_317 = arith.constant 0 : i32
    %dma_start3A_318 = tpu.memref_slice %arg8[%dma_start3A_316, %dma_start3A_317] : memref<256x128xf32, #tpu.memory_space<vmem>> -> memref<32x128xf32, #tpu.memory_space<vmem>>
    tpu.enqueue_dma source(%dma_start3A_318 : memref<32x128xf32, #tpu.memory_space<vmem>>) target(%dma_start3A_315 : memref<32x128xf32, #tpu.memory_space<hbm>>) target_semaphore(%arg19 : memref<!tpu.dma_semaphore, #tpu.memory_space<semaphore_mem>>)
    %dma_wait3A_319 = arith.constant 1 : i32
    %dma_wait3A_320 = arith.constant 96 : i32
    %dma_wait3A_321 = arith.constant 0 : i32
    %dma_wait3A_322 = tpu.memref_slice %arg8[%dma_wait3A_320, %dma_wait3A_321] : memref<256x128xf32, #tpu.memory_space<vmem>> -> memref<32x128xf32, #tpu.memory_space<vmem>>
    %dma_wait3A_323 = arith.constant 0 : i32
    %dma_wait3A_324 = tpu.memref_slice %arg6[%dma_wait3A_319, %dma_wait3A_323] : memref<4x64xi32, #tpu.memory_space<vmem>> -> memref<1x64xi32, #tpu.memory_space<vmem>>
    %dma_wait3A_325 = tpu.memref_squeeze %dma_wait3A_324 : memref<1x64xi32, #tpu.memory_space<vmem>> -> memref<64xi32, #tpu.memory_space<vmem>>
    %dma_wait3A_326 = arith.constant 32 : i32
    %dma_wait3A_327 = tpu.memref_slice %dma_wait3A_325[%dma_wait3A_326] : memref<64xi32, #tpu.memory_space<vmem>> -> memref<32xi32, #tpu.memory_space<vmem>>
    %dma_wait3A_328 = arith.constant 0 : i32
    %dma_wait3A_329 = arith.constant 0 : i32
    %dma_wait3A_330 = tpu.memref_slice %arg3[%dma_wait3A_328, %dma_wait3A_329] : memref<100000x128xf32, #tpu.memory_space<hbm>> -> memref<100000x128xf32, #tpu.memory_space<hbm>>
    tpu.wait_indirect_dma semaphore(%arg12 : memref<!tpu.dma_semaphore, #tpu.memory_space<semaphore_mem>>) src(%dma_wait3A_330 : memref<100000x128xf32, #tpu.memory_space<hbm>>) dst(%dma_wait3A_322 : memref<32x128xf32, #tpu.memory_space<vmem>>)
    %add3A_331 = arith.constant 32 : i32
    %add3A_332 = arith.addi %mul3A_2, %add3A_331 : i32
    %dma_start3A_333 = arith.constant 1 : i32
    %dma_start3A_334 = arith.constant 96 : i32
    %dma_start3A_335 = arith.constant 0 : i32
    %dma_start3A_336 = tpu.memref_slice %arg8[%dma_start3A_334, %dma_start3A_335] : memref<256x128xf32, #tpu.memory_space<vmem>> -> memref<32x128xf32, #tpu.memory_space<vmem>>
    %dma_start3A_337 = arith.constant 0 : i32
    %dma_start3A_338 = tpu.memref_slice %arg5[%dma_start3A_333, %add3A_332, %dma_start3A_337] : memref<4x2048x128xf32, #tpu.memory_space<hbm>> -> memref<1x32x128xf32, #tpu.memory_space<hbm>>
    %dma_start3A_339 = tpu.memref_squeeze %dma_start3A_338 : memref<1x32x128xf32, #tpu.memory_space<hbm>> -> memref<32x128xf32, #tpu.memory_space<hbm>>
    %dma_start3A_340 = arith.constant 0 : i32
    %dma_start3A_341 = tpu.memref_slice %arg5[%dma_start3A_333, %add3A_332, %dma_start3A_340] : memref<4x2048x128xf32, #tpu.memory_space<hbm>> -> memref<1x32x128xf32, #tpu.memory_space<hbm>>
    %dma_start3A_342 = tpu.memref_squeeze %dma_start3A_341 : memref<1x32x128xf32, #tpu.memory_space<hbm>> -> memref<32x128xf32, #tpu.memory_space<hbm>>
    %dma_start3A_343 = arith.constant 96 : i32
    %dma_start3A_344 = arith.constant 0 : i32
    %dma_start3A_345 = tpu.memref_slice %arg8[%dma_start3A_343, %dma_start3A_344] : memref<256x128xf32, #tpu.memory_space<vmem>> -> memref<32x128xf32, #tpu.memory_space<vmem>>
    tpu.enqueue_dma source(%dma_start3A_345 : memref<32x128xf32, #tpu.memory_space<vmem>>) target(%dma_start3A_342 : memref<32x128xf32, #tpu.memory_space<hbm>>) target_semaphore(%arg19 : memref<!tpu.dma_semaphore, #tpu.memory_space<semaphore_mem>>)
    %dma_wait3A_346 = arith.constant 2 : i32
    %dma_wait3A_347 = arith.constant 128 : i32
    %dma_wait3A_348 = arith.constant 0 : i32
    %dma_wait3A_349 = tpu.memref_slice %arg8[%dma_wait3A_347, %dma_wait3A_348] : memref<256x128xf32, #tpu.memory_space<vmem>> -> memref<32x128xf32, #tpu.memory_space<vmem>>
    %dma_wait3A_350 = arith.constant 0 : i32
    %dma_wait3A_351 = tpu.memref_slice %arg6[%dma_wait3A_346, %dma_wait3A_350] : memref<4x64xi32, #tpu.memory_space<vmem>> -> memref<1x64xi32, #tpu.memory_space<vmem>>
    %dma_wait3A_352 = tpu.memref_squeeze %dma_wait3A_351 : memref<1x64xi32, #tpu.memory_space<vmem>> -> memref<64xi32, #tpu.memory_space<vmem>>
    %dma_wait3A_353 = arith.constant 0 : i32
    %dma_wait3A_354 = tpu.memref_slice %dma_wait3A_352[%dma_wait3A_353] : memref<64xi32, #tpu.memory_space<vmem>> -> memref<32xi32, #tpu.memory_space<vmem>>
    %dma_wait3A_355 = arith.constant 0 : i32
    %dma_wait3A_356 = arith.constant 0 : i32
    %dma_wait3A_357 = tpu.memref_slice %arg3[%dma_wait3A_355, %dma_wait3A_356] : memref<100000x128xf32, #tpu.memory_space<hbm>> -> memref<100000x128xf32, #tpu.memory_space<hbm>>
    tpu.wait_indirect_dma semaphore(%arg13 : memref<!tpu.dma_semaphore, #tpu.memory_space<semaphore_mem>>) src(%dma_wait3A_357 : memref<100000x128xf32, #tpu.memory_space<hbm>>) dst(%dma_wait3A_349 : memref<32x128xf32, #tpu.memory_space<vmem>>)
    %add3A_358 = arith.constant 0 : i32
    %add3A_359 = arith.addi %mul3A_2, %add3A_358 : i32
    %dma_start3A_360 = arith.constant 2 : i32
    %dma_start3A_361 = arith.constant 128 : i32
    %dma_start3A_362 = arith.constant 0 : i32
    %dma_start3A_363 = tpu.memref_slice %arg8[%dma_start3A_361, %dma_start3A_362] : memref<256x128xf32, #tpu.memory_space<vmem>> -> memref<32x128xf32, #tpu.memory_space<vmem>>
    %dma_start3A_364 = arith.constant 0 : i32
    %dma_start3A_365 = tpu.memref_slice %arg5[%dma_start3A_360, %add3A_359, %dma_start3A_364] : memref<4x2048x128xf32, #tpu.memory_space<hbm>> -> memref<1x32x128xf32, #tpu.memory_space<hbm>>
    %dma_start3A_366 = tpu.memref_squeeze %dma_start3A_365 : memref<1x32x128xf32, #tpu.memory_space<hbm>> -> memref<32x128xf32, #tpu.memory_space<hbm>>
    %dma_start3A_367 = arith.constant 0 : i32
    %dma_start3A_368 = tpu.memref_slice %arg5[%dma_start3A_360, %add3A_359, %dma_start3A_367] : memref<4x2048x128xf32, #tpu.memory_space<hbm>> -> memref<1x32x128xf32, #tpu.memory_space<hbm>>
    %dma_start3A_369 = tpu.memref_squeeze %dma_start3A_368 : memref<1x32x128xf32, #tpu.memory_space<hbm>> -> memref<32x128xf32, #tpu.memory_space<hbm>>
    %dma_start3A_370 = arith.constant 128 : i32
    %dma_start3A_371 = arith.constant 0 : i32
    %dma_start3A_372 = tpu.memref_slice %arg8[%dma_start3A_370, %dma_start3A_371] : memref<256x128xf32, #tpu.memory_space<vmem>> -> memref<32x128xf32, #tpu.memory_space<vmem>>
    tpu.enqueue_dma source(%dma_start3A_372 : memref<32x128xf32, #tpu.memory_space<vmem>>) target(%dma_start3A_369 : memref<32x128xf32, #tpu.memory_space<hbm>>) target_semaphore(%arg19 : memref<!tpu.dma_semaphore, #tpu.memory_space<semaphore_mem>>)
    %dma_wait3A_373 = arith.constant 2 : i32
    %dma_wait3A_374 = arith.constant 160 : i32
    %dma_wait3A_375 = arith.constant 0 : i32
    %dma_wait3A_376 = tpu.memref_slice %arg8[%dma_wait3A_374, %dma_wait3A_375] : memref<256x128xf32, #tpu.memory_space<vmem>> -> memref<32x128xf32, #tpu.memory_space<vmem>>
    %dma_wait3A_377 = arith.constant 0 : i32
    %dma_wait3A_378 = tpu.memref_slice %arg6[%dma_wait3A_373, %dma_wait3A_377] : memref<4x64xi32, #tpu.memory_space<vmem>> -> memref<1x64xi32, #tpu.memory_space<vmem>>
    %dma_wait3A_379 = tpu.memref_squeeze %dma_wait3A_378 : memref<1x64xi32, #tpu.memory_space<vmem>> -> memref<64xi32, #tpu.memory_space<vmem>>
    %dma_wait3A_380 = arith.constant 32 : i32
    %dma_wait3A_381 = tpu.memref_slice %dma_wait3A_379[%dma_wait3A_380] : memref<64xi32, #tpu.memory_space<vmem>> -> memref<32xi32, #tpu.memory_space<vmem>>
    %dma_wait3A_382 = arith.constant 0 : i32
    %dma_wait3A_383 = arith.constant 0 : i32
    %dma_wait3A_384 = tpu.memref_slice %arg3[%dma_wait3A_382, %dma_wait3A_383] : memref<100000x128xf32, #tpu.memory_space<hbm>> -> memref<100000x128xf32, #tpu.memory_space<hbm>>
    tpu.wait_indirect_dma semaphore(%arg14 : memref<!tpu.dma_semaphore, #tpu.memory_space<semaphore_mem>>) src(%dma_wait3A_384 : memref<100000x128xf32, #tpu.memory_space<hbm>>) dst(%dma_wait3A_376 : memref<32x128xf32, #tpu.memory_space<vmem>>)
    %add3A_385 = arith.constant 32 : i32
    %add3A_386 = arith.addi %mul3A_2, %add3A_385 : i32
    %dma_start3A_387 = arith.constant 2 : i32
    %dma_start3A_388 = arith.constant 160 : i32
    %dma_start3A_389 = arith.constant 0 : i32
    %dma_start3A_390 = tpu.memref_slice %arg8[%dma_start3A_388, %dma_start3A_389] : memref<256x128xf32, #tpu.memory_space<vmem>> -> memref<32x128xf32, #tpu.memory_space<vmem>>
    %dma_start3A_391 = arith.constant 0 : i32
    %dma_start3A_392 = tpu.memref_slice %arg5[%dma_start3A_387, %add3A_386, %dma_start3A_391] : memref<4x2048x128xf32, #tpu.memory_space<hbm>> -> memref<1x32x128xf32, #tpu.memory_space<hbm>>
    %dma_start3A_393 = tpu.memref_squeeze %dma_start3A_392 : memref<1x32x128xf32, #tpu.memory_space<hbm>> -> memref<32x128xf32, #tpu.memory_space<hbm>>
    %dma_start3A_394 = arith.constant 0 : i32
    %dma_start3A_395 = tpu.memref_slice %arg5[%dma_start3A_387, %add3A_386, %dma_start3A_394] : memref<4x2048x128xf32, #tpu.memory_space<hbm>> -> memref<1x32x128xf32, #tpu.memory_space<hbm>>
    %dma_start3A_396 = tpu.memref_squeeze %dma_start3A_395 : memref<1x32x128xf32, #tpu.memory_space<hbm>> -> memref<32x128xf32, #tpu.memory_space<hbm>>
    %dma_start3A_397 = arith.constant 160 : i32
    %dma_start3A_398 = arith.constant 0 : i32
    %dma_start3A_399 = tpu.memref_slice %arg8[%dma_start3A_397, %dma_start3A_398] : memref<256x128xf32, #tpu.memory_space<vmem>> -> memref<32x128xf32, #tpu.memory_space<vmem>>
    tpu.enqueue_dma source(%dma_start3A_399 : memref<32x128xf32, #tpu.memory_space<vmem>>) target(%dma_start3A_396 : memref<32x128xf32, #tpu.memory_space<hbm>>) target_semaphore(%arg19 : memref<!tpu.dma_semaphore, #tpu.memory_space<semaphore_mem>>)
    %dma_wait3A_400 = arith.constant 3 : i32
    %dma_wait3A_401 = arith.constant 192 : i32
    %dma_wait3A_402 = arith.constant 0 : i32
    %dma_wait3A_403 = tpu.memref_slice %arg8[%dma_wait3A_401, %dma_wait3A_402] : memref<256x128xf32, #tpu.memory_space<vmem>> -> memref<32x128xf32, #tpu.memory_space<vmem>>
    %dma_wait3A_404 = arith.constant 0 : i32
    %dma_wait3A_405 = tpu.memref_slice %arg6[%dma_wait3A_400, %dma_wait3A_404] : memref<4x64xi32, #tpu.memory_space<vmem>> -> memref<1x64xi32, #tpu.memory_space<vmem>>
    %dma_wait3A_406 = tpu.memref_squeeze %dma_wait3A_405 : memref<1x64xi32, #tpu.memory_space<vmem>> -> memref<64xi32, #tpu.memory_space<vmem>>
    %dma_wait3A_407 = arith.constant 0 : i32
    %dma_wait3A_408 = tpu.memref_slice %dma_wait3A_406[%dma_wait3A_407] : memref<64xi32, #tpu.memory_space<vmem>> -> memref<32xi32, #tpu.memory_space<vmem>>
    %dma_wait3A_409 = arith.constant 0 : i32
    %dma_wait3A_410 = arith.constant 0 : i32
    %dma_wait3A_411 = tpu.memref_slice %arg3[%dma_wait3A_409, %dma_wait3A_410] : memref<100000x128xf32, #tpu.memory_space<hbm>> -> memref<100000x128xf32, #tpu.memory_space<hbm>>
    tpu.wait_indirect_dma semaphore(%arg15 : memref<!tpu.dma_semaphore, #tpu.memory_space<semaphore_mem>>) src(%dma_wait3A_411 : memref<100000x128xf32, #tpu.memory_space<hbm>>) dst(%dma_wait3A_403 : memref<32x128xf32, #tpu.memory_space<vmem>>)
    %add3A_412 = arith.constant 0 : i32
    %add3A_413 = arith.addi %mul3A_2, %add3A_412 : i32
    %dma_start3A_414 = arith.constant 3 : i32
    %dma_start3A_415 = arith.constant 192 : i32
    %dma_start3A_416 = arith.constant 0 : i32
    %dma_start3A_417 = tpu.memref_slice %arg8[%dma_start3A_415, %dma_start3A_416] : memref<256x128xf32, #tpu.memory_space<vmem>> -> memref<32x128xf32, #tpu.memory_space<vmem>>
    %dma_start3A_418 = arith.constant 0 : i32
    %dma_start3A_419 = tpu.memref_slice %arg5[%dma_start3A_414, %add3A_413, %dma_start3A_418] : memref<4x2048x128xf32, #tpu.memory_space<hbm>> -> memref<1x32x128xf32, #tpu.memory_space<hbm>>
    %dma_start3A_420 = tpu.memref_squeeze %dma_start3A_419 : memref<1x32x128xf32, #tpu.memory_space<hbm>> -> memref<32x128xf32, #tpu.memory_space<hbm>>
    %dma_start3A_421 = arith.constant 0 : i32
    %dma_start3A_422 = tpu.memref_slice %arg5[%dma_start3A_414, %add3A_413, %dma_start3A_421] : memref<4x2048x128xf32, #tpu.memory_space<hbm>> -> memref<1x32x128xf32, #tpu.memory_space<hbm>>
    %dma_start3A_423 = tpu.memref_squeeze %dma_start3A_422 : memref<1x32x128xf32, #tpu.memory_space<hbm>> -> memref<32x128xf32, #tpu.memory_space<hbm>>
    %dma_start3A_424 = arith.constant 192 : i32
    %dma_start3A_425 = arith.constant 0 : i32
    %dma_start3A_426 = tpu.memref_slice %arg8[%dma_start3A_424, %dma_start3A_425] : memref<256x128xf32, #tpu.memory_space<vmem>> -> memref<32x128xf32, #tpu.memory_space<vmem>>
    tpu.enqueue_dma source(%dma_start3A_426 : memref<32x128xf32, #tpu.memory_space<vmem>>) target(%dma_start3A_423 : memref<32x128xf32, #tpu.memory_space<hbm>>) target_semaphore(%arg19 : memref<!tpu.dma_semaphore, #tpu.memory_space<semaphore_mem>>)
    %dma_wait3A_427 = arith.constant 3 : i32
    %dma_wait3A_428 = arith.constant 224 : i32
    %dma_wait3A_429 = arith.constant 0 : i32
    %dma_wait3A_430 = tpu.memref_slice %arg8[%dma_wait3A_428, %dma_wait3A_429] : memref<256x128xf32, #tpu.memory_space<vmem>> -> memref<32x128xf32, #tpu.memory_space<vmem>>
    %dma_wait3A_431 = arith.constant 0 : i32
    %dma_wait3A_432 = tpu.memref_slice %arg6[%dma_wait3A_427, %dma_wait3A_431] : memref<4x64xi32, #tpu.memory_space<vmem>> -> memref<1x64xi32, #tpu.memory_space<vmem>>
    %dma_wait3A_433 = tpu.memref_squeeze %dma_wait3A_432 : memref<1x64xi32, #tpu.memory_space<vmem>> -> memref<64xi32, #tpu.memory_space<vmem>>
    %dma_wait3A_434 = arith.constant 32 : i32
    %dma_wait3A_435 = tpu.memref_slice %dma_wait3A_433[%dma_wait3A_434] : memref<64xi32, #tpu.memory_space<vmem>> -> memref<32xi32, #tpu.memory_space<vmem>>
    %dma_wait3A_436 = arith.constant 0 : i32
    %dma_wait3A_437 = arith.constant 0 : i32
    %dma_wait3A_438 = tpu.memref_slice %arg3[%dma_wait3A_436, %dma_wait3A_437] : memref<100000x128xf32, #tpu.memory_space<hbm>> -> memref<100000x128xf32, #tpu.memory_space<hbm>>
    tpu.wait_indirect_dma semaphore(%arg16 : memref<!tpu.dma_semaphore, #tpu.memory_space<semaphore_mem>>) src(%dma_wait3A_438 : memref<100000x128xf32, #tpu.memory_space<hbm>>) dst(%dma_wait3A_430 : memref<32x128xf32, #tpu.memory_space<vmem>>)
    %add3A_439 = arith.constant 32 : i32
    %add3A_440 = arith.addi %mul3A_2, %add3A_439 : i32
    %dma_start3A_441 = arith.constant 3 : i32
    %dma_start3A_442 = arith.constant 224 : i32
    %dma_start3A_443 = arith.constant 0 : i32
    %dma_start3A_444 = tpu.memref_slice %arg8[%dma_start3A_442, %dma_start3A_443] : memref<256x128xf32, #tpu.memory_space<vmem>> -> memref<32x128xf32, #tpu.memory_space<vmem>>
    %dma_start3A_445 = arith.constant 0 : i32
    %dma_start3A_446 = tpu.memref_slice %arg5[%dma_start3A_441, %add3A_440, %dma_start3A_445] : memref<4x2048x128xf32, #tpu.memory_space<hbm>> -> memref<1x32x128xf32, #tpu.memory_space<hbm>>
    %dma_start3A_447 = tpu.memref_squeeze %dma_start3A_446 : memref<1x32x128xf32, #tpu.memory_space<hbm>> -> memref<32x128xf32, #tpu.memory_space<hbm>>
    %dma_start3A_448 = arith.constant 0 : i32
    %dma_start3A_449 = tpu.memref_slice %arg5[%dma_start3A_441, %add3A_440, %dma_start3A_448] : memref<4x2048x128xf32, #tpu.memory_space<hbm>> -> memref<1x32x128xf32, #tpu.memory_space<hbm>>
    %dma_start3A_450 = tpu.memref_squeeze %dma_start3A_449 : memref<1x32x128xf32, #tpu.memory_space<hbm>> -> memref<32x128xf32, #tpu.memory_space<hbm>>
    %dma_start3A_451 = arith.constant 224 : i32
    %dma_start3A_452 = arith.constant 0 : i32
    %dma_start3A_453 = tpu.memref_slice %arg8[%dma_start3A_451, %dma_start3A_452] : memref<256x128xf32, #tpu.memory_space<vmem>> -> memref<32x128xf32, #tpu.memory_space<vmem>>
    tpu.enqueue_dma source(%dma_start3A_453 : memref<32x128xf32, #tpu.memory_space<vmem>>) target(%dma_start3A_450 : memref<32x128xf32, #tpu.memory_space<hbm>>) target_semaphore(%arg19 : memref<!tpu.dma_semaphore, #tpu.memory_space<semaphore_mem>>)
    %dma_wait3A_454 = arith.constant 0 : i32
    %dma_wait3A_455 = arith.constant 0 : i32
    %dma_wait3A_456 = arith.constant 0 : i32
    %dma_wait3A_457 = tpu.memref_slice %arg8[%dma_wait3A_455, %dma_wait3A_456] : memref<256x128xf32, #tpu.memory_space<vmem>> -> memref<32x128xf32, #tpu.memory_space<vmem>>
    %dma_wait3A_458 = arith.constant 0 : i32
    %dma_wait3A_459 = tpu.memref_slice %arg5[%dma_wait3A_454, %add3A_251, %dma_wait3A_458] : memref<4x2048x128xf32, #tpu.memory_space<hbm>> -> memref<1x32x128xf32, #tpu.memory_space<hbm>>
    %dma_wait3A_460 = tpu.memref_squeeze %dma_wait3A_459 : memref<1x32x128xf32, #tpu.memory_space<hbm>> -> memref<32x128xf32, #tpu.memory_space<hbm>>
    %dma_wait3A_461 = arith.constant 0 : i32
    %dma_wait3A_462 = tpu.memref_slice %arg5[%dma_wait3A_454, %add3A_251, %dma_wait3A_461] : memref<4x2048x128xf32, #tpu.memory_space<hbm>> -> memref<1x32x128xf32, #tpu.memory_space<hbm>>
    %dma_wait3A_463 = tpu.memref_squeeze %dma_wait3A_462 : memref<1x32x128xf32, #tpu.memory_space<hbm>> -> memref<32x128xf32, #tpu.memory_space<hbm>>
    %dma_wait3A_464 = arith.constant 0 : i32
    %dma_wait3A_465 = arith.constant 0 : i32
    %dma_wait3A_466 = tpu.memref_slice %arg8[%dma_wait3A_464, %dma_wait3A_465] : memref<256x128xf32, #tpu.memory_space<vmem>> -> memref<32x128xf32, #tpu.memory_space<vmem>>
    tpu.wait_dma2 semaphore(%arg19 : memref<!tpu.dma_semaphore, #tpu.memory_space<semaphore_mem>>) src(%dma_wait3A_466 : memref<32x128xf32, #tpu.memory_space<vmem>>) dst(%dma_wait3A_463 : memref<32x128xf32, #tpu.memory_space<hbm>>)
    %dma_wait3A_467 = arith.constant 0 : i32
    %dma_wait3A_468 = arith.constant 32 : i32
    %dma_wait3A_469 = arith.constant 0 : i32
    %dma_wait3A_470 = tpu.memref_slice %arg8[%dma_wait3A_468, %dma_wait3A_469] : memref<256x128xf32, #tpu.memory_space<vmem>> -> memref<32x128xf32, #tpu.memory_space<vmem>>
    %dma_wait3A_471 = arith.constant 0 : i32
    %dma_wait3A_472 = tpu.memref_slice %arg5[%dma_wait3A_467, %add3A_278, %dma_wait3A_471] : memref<4x2048x128xf32, #tpu.memory_space<hbm>> -> memref<1x32x128xf32, #tpu.memory_space<hbm>>
    %dma_wait3A_473 = tpu.memref_squeeze %dma_wait3A_472 : memref<1x32x128xf32, #tpu.memory_space<hbm>> -> memref<32x128xf32, #tpu.memory_space<hbm>>
    %dma_wait3A_474 = arith.constant 0 : i32
    %dma_wait3A_475 = tpu.memref_slice %arg5[%dma_wait3A_467, %add3A_278, %dma_wait3A_474] : memref<4x2048x128xf32, #tpu.memory_space<hbm>> -> memref<1x32x128xf32, #tpu.memory_space<hbm>>
    %dma_wait3A_476 = tpu.memref_squeeze %dma_wait3A_475 : memref<1x32x128xf32, #tpu.memory_space<hbm>> -> memref<32x128xf32, #tpu.memory_space<hbm>>
    %dma_wait3A_477 = arith.constant 32 : i32
    %dma_wait3A_478 = arith.constant 0 : i32
    %dma_wait3A_479 = tpu.memref_slice %arg8[%dma_wait3A_477, %dma_wait3A_478] : memref<256x128xf32, #tpu.memory_space<vmem>> -> memref<32x128xf32, #tpu.memory_space<vmem>>
    tpu.wait_dma2 semaphore(%arg19 : memref<!tpu.dma_semaphore, #tpu.memory_space<semaphore_mem>>) src(%dma_wait3A_479 : memref<32x128xf32, #tpu.memory_space<vmem>>) dst(%dma_wait3A_476 : memref<32x128xf32, #tpu.memory_space<hbm>>)
    %dma_wait3A_480 = arith.constant 1 : i32
    %dma_wait3A_481 = arith.constant 64 : i32
    %dma_wait3A_482 = arith.constant 0 : i32
    %dma_wait3A_483 = tpu.memref_slice %arg8[%dma_wait3A_481, %dma_wait3A_482] : memref<256x128xf32, #tpu.memory_space<vmem>> -> memref<32x128xf32, #tpu.memory_space<vmem>>
    %dma_wait3A_484 = arith.constant 0 : i32
    %dma_wait3A_485 = tpu.memref_slice %arg5[%dma_wait3A_480, %add3A_305, %dma_wait3A_484] : memref<4x2048x128xf32, #tpu.memory_space<hbm>> -> memref<1x32x128xf32, #tpu.memory_space<hbm>>
    %dma_wait3A_486 = tpu.memref_squeeze %dma_wait3A_485 : memref<1x32x128xf32, #tpu.memory_space<hbm>> -> memref<32x128xf32, #tpu.memory_space<hbm>>
    %dma_wait3A_487 = arith.constant 0 : i32
    %dma_wait3A_488 = tpu.memref_slice %arg5[%dma_wait3A_480, %add3A_305, %dma_wait3A_487] : memref<4x2048x128xf32, #tpu.memory_space<hbm>> -> memref<1x32x128xf32, #tpu.memory_space<hbm>>
    %dma_wait3A_489 = tpu.memref_squeeze %dma_wait3A_488 : memref<1x32x128xf32, #tpu.memory_space<hbm>> -> memref<32x128xf32, #tpu.memory_space<hbm>>
    %dma_wait3A_490 = arith.constant 64 : i32
    %dma_wait3A_491 = arith.constant 0 : i32
    %dma_wait3A_492 = tpu.memref_slice %arg8[%dma_wait3A_490, %dma_wait3A_491] : memref<256x128xf32, #tpu.memory_space<vmem>> -> memref<32x128xf32, #tpu.memory_space<vmem>>
    tpu.wait_dma2 semaphore(%arg19 : memref<!tpu.dma_semaphore, #tpu.memory_space<semaphore_mem>>) src(%dma_wait3A_492 : memref<32x128xf32, #tpu.memory_space<vmem>>) dst(%dma_wait3A_489 : memref<32x128xf32, #tpu.memory_space<hbm>>)
    %dma_wait3A_493 = arith.constant 1 : i32
    %dma_wait3A_494 = arith.constant 96 : i32
    %dma_wait3A_495 = arith.constant 0 : i32
    %dma_wait3A_496 = tpu.memref_slice %arg8[%dma_wait3A_494, %dma_wait3A_495] : memref<256x128xf32, #tpu.memory_space<vmem>> -> memref<32x128xf32, #tpu.memory_space<vmem>>
    %dma_wait3A_497 = arith.constant 0 : i32
    %dma_wait3A_498 = tpu.memref_slice %arg5[%dma_wait3A_493, %add3A_332, %dma_wait3A_497] : memref<4x2048x128xf32, #tpu.memory_space<hbm>> -> memref<1x32x128xf32, #tpu.memory_space<hbm>>
    %dma_wait3A_499 = tpu.memref_squeeze %dma_wait3A_498 : memref<1x32x128xf32, #tpu.memory_space<hbm>> -> memref<32x128xf32, #tpu.memory_space<hbm>>
    %dma_wait3A_500 = arith.constant 0 : i32
    %dma_wait3A_501 = tpu.memref_slice %arg5[%dma_wait3A_493, %add3A_332, %dma_wait3A_500] : memref<4x2048x128xf32, #tpu.memory_space<hbm>> -> memref<1x32x128xf32, #tpu.memory_space<hbm>>
    %dma_wait3A_502 = tpu.memref_squeeze %dma_wait3A_501 : memref<1x32x128xf32, #tpu.memory_space<hbm>> -> memref<32x128xf32, #tpu.memory_space<hbm>>
    %dma_wait3A_503 = arith.constant 96 : i32
    %dma_wait3A_504 = arith.constant 0 : i32
    %dma_wait3A_505 = tpu.memref_slice %arg8[%dma_wait3A_503, %dma_wait3A_504] : memref<256x128xf32, #tpu.memory_space<vmem>> -> memref<32x128xf32, #tpu.memory_space<vmem>>
    tpu.wait_dma2 semaphore(%arg19 : memref<!tpu.dma_semaphore, #tpu.memory_space<semaphore_mem>>) src(%dma_wait3A_505 : memref<32x128xf32, #tpu.memory_space<vmem>>) dst(%dma_wait3A_502 : memref<32x128xf32, #tpu.memory_space<hbm>>)
    %dma_wait3A_506 = arith.constant 2 : i32
    %dma_wait3A_507 = arith.constant 128 : i32
    %dma_wait3A_508 = arith.constant 0 : i32
    %dma_wait3A_509 = tpu.memref_slice %arg8[%dma_wait3A_507, %dma_wait3A_508] : memref<256x128xf32, #tpu.memory_space<vmem>> -> memref<32x128xf32, #tpu.memory_space<vmem>>
    %dma_wait3A_510 = arith.constant 0 : i32
    %dma_wait3A_511 = tpu.memref_slice %arg5[%dma_wait3A_506, %add3A_359, %dma_wait3A_510] : memref<4x2048x128xf32, #tpu.memory_space<hbm>> -> memref<1x32x128xf32, #tpu.memory_space<hbm>>
    %dma_wait3A_512 = tpu.memref_squeeze %dma_wait3A_511 : memref<1x32x128xf32, #tpu.memory_space<hbm>> -> memref<32x128xf32, #tpu.memory_space<hbm>>
    %dma_wait3A_513 = arith.constant 0 : i32
    %dma_wait3A_514 = tpu.memref_slice %arg5[%dma_wait3A_506, %add3A_359, %dma_wait3A_513] : memref<4x2048x128xf32, #tpu.memory_space<hbm>> -> memref<1x32x128xf32, #tpu.memory_space<hbm>>
    %dma_wait3A_515 = tpu.memref_squeeze %dma_wait3A_514 : memref<1x32x128xf32, #tpu.memory_space<hbm>> -> memref<32x128xf32, #tpu.memory_space<hbm>>
    %dma_wait3A_516 = arith.constant 128 : i32
    %dma_wait3A_517 = arith.constant 0 : i32
    %dma_wait3A_518 = tpu.memref_slice %arg8[%dma_wait3A_516, %dma_wait3A_517] : memref<256x128xf32, #tpu.memory_space<vmem>> -> memref<32x128xf32, #tpu.memory_space<vmem>>
    tpu.wait_dma2 semaphore(%arg19 : memref<!tpu.dma_semaphore, #tpu.memory_space<semaphore_mem>>) src(%dma_wait3A_518 : memref<32x128xf32, #tpu.memory_space<vmem>>) dst(%dma_wait3A_515 : memref<32x128xf32, #tpu.memory_space<hbm>>)
    %dma_wait3A_519 = arith.constant 2 : i32
    %dma_wait3A_520 = arith.constant 160 : i32
    %dma_wait3A_521 = arith.constant 0 : i32
    %dma_wait3A_522 = tpu.memref_slice %arg8[%dma_wait3A_520, %dma_wait3A_521] : memref<256x128xf32, #tpu.memory_space<vmem>> -> memref<32x128xf32, #tpu.memory_space<vmem>>
    %dma_wait3A_523 = arith.constant 0 : i32
    %dma_wait3A_524 = tpu.memref_slice %arg5[%dma_wait3A_519, %add3A_386, %dma_wait3A_523] : memref<4x2048x128xf32, #tpu.memory_space<hbm>> -> memref<1x32x128xf32, #tpu.memory_space<hbm>>
    %dma_wait3A_525 = tpu.memref_squeeze %dma_wait3A_524 : memref<1x32x128xf32, #tpu.memory_space<hbm>> -> memref<32x128xf32, #tpu.memory_space<hbm>>
    %dma_wait3A_526 = arith.constant 0 : i32
    %dma_wait3A_527 = tpu.memref_slice %arg5[%dma_wait3A_519, %add3A_386, %dma_wait3A_526] : memref<4x2048x128xf32, #tpu.memory_space<hbm>> -> memref<1x32x128xf32, #tpu.memory_space<hbm>>
    %dma_wait3A_528 = tpu.memref_squeeze %dma_wait3A_527 : memref<1x32x128xf32, #tpu.memory_space<hbm>> -> memref<32x128xf32, #tpu.memory_space<hbm>>
    %dma_wait3A_529 = arith.constant 160 : i32
    %dma_wait3A_530 = arith.constant 0 : i32
    %dma_wait3A_531 = tpu.memref_slice %arg8[%dma_wait3A_529, %dma_wait3A_530] : memref<256x128xf32, #tpu.memory_space<vmem>> -> memref<32x128xf32, #tpu.memory_space<vmem>>
    tpu.wait_dma2 semaphore(%arg19 : memref<!tpu.dma_semaphore, #tpu.memory_space<semaphore_mem>>) src(%dma_wait3A_531 : memref<32x128xf32, #tpu.memory_space<vmem>>) dst(%dma_wait3A_528 : memref<32x128xf32, #tpu.memory_space<hbm>>)
    %dma_wait3A_532 = arith.constant 3 : i32
    %dma_wait3A_533 = arith.constant 192 : i32
    %dma_wait3A_534 = arith.constant 0 : i32
    %dma_wait3A_535 = tpu.memref_slice %arg8[%dma_wait3A_533, %dma_wait3A_534] : memref<256x128xf32, #tpu.memory_space<vmem>> -> memref<32x128xf32, #tpu.memory_space<vmem>>
    %dma_wait3A_536 = arith.constant 0 : i32
    %dma_wait3A_537 = tpu.memref_slice %arg5[%dma_wait3A_532, %add3A_413, %dma_wait3A_536] : memref<4x2048x128xf32, #tpu.memory_space<hbm>> -> memref<1x32x128xf32, #tpu.memory_space<hbm>>
    %dma_wait3A_538 = tpu.memref_squeeze %dma_wait3A_537 : memref<1x32x128xf32, #tpu.memory_space<hbm>> -> memref<32x128xf32, #tpu.memory_space<hbm>>
    %dma_wait3A_539 = arith.constant 0 : i32
    %dma_wait3A_540 = tpu.memref_slice %arg5[%dma_wait3A_532, %add3A_413, %dma_wait3A_539] : memref<4x2048x128xf32, #tpu.memory_space<hbm>> -> memref<1x32x128xf32, #tpu.memory_space<hbm>>
    %dma_wait3A_541 = tpu.memref_squeeze %dma_wait3A_540 : memref<1x32x128xf32, #tpu.memory_space<hbm>> -> memref<32x128xf32, #tpu.memory_space<hbm>>
    %dma_wait3A_542 = arith.constant 192 : i32
    %dma_wait3A_543 = arith.constant 0 : i32
    %dma_wait3A_544 = tpu.memref_slice %arg8[%dma_wait3A_542, %dma_wait3A_543] : memref<256x128xf32, #tpu.memory_space<vmem>> -> memref<32x128xf32, #tpu.memory_space<vmem>>
    tpu.wait_dma2 semaphore(%arg19 : memref<!tpu.dma_semaphore, #tpu.memory_space<semaphore_mem>>) src(%dma_wait3A_544 : memref<32x128xf32, #tpu.memory_space<vmem>>) dst(%dma_wait3A_541 : memref<32x128xf32, #tpu.memory_space<hbm>>)
    %dma_wait3A_545 = arith.constant 3 : i32
    %dma_wait3A_546 = arith.constant 224 : i32
    %dma_wait3A_547 = arith.constant 0 : i32
    %dma_wait3A_548 = tpu.memref_slice %arg8[%dma_wait3A_546, %dma_wait3A_547] : memref<256x128xf32, #tpu.memory_space<vmem>> -> memref<32x128xf32, #tpu.memory_space<vmem>>
    %dma_wait3A_549 = arith.constant 0 : i32
    %dma_wait3A_550 = tpu.memref_slice %arg5[%dma_wait3A_545, %add3A_440, %dma_wait3A_549] : memref<4x2048x128xf32, #tpu.memory_space<hbm>> -> memref<1x32x128xf32, #tpu.memory_space<hbm>>
    %dma_wait3A_551 = tpu.memref_squeeze %dma_wait3A_550 : memref<1x32x128xf32, #tpu.memory_space<hbm>> -> memref<32x128xf32, #tpu.memory_space<hbm>>
    %dma_wait3A_552 = arith.constant 0 : i32
    %dma_wait3A_553 = tpu.memref_slice %arg5[%dma_wait3A_545, %add3A_440, %dma_wait3A_552] : memref<4x2048x128xf32, #tpu.memory_space<hbm>> -> memref<1x32x128xf32, #tpu.memory_space<hbm>>
    %dma_wait3A_554 = tpu.memref_squeeze %dma_wait3A_553 : memref<1x32x128xf32, #tpu.memory_space<hbm>> -> memref<32x128xf32, #tpu.memory_space<hbm>>
    %dma_wait3A_555 = arith.constant 224 : i32
    %dma_wait3A_556 = arith.constant 0 : i32
    %dma_wait3A_557 = tpu.memref_slice %arg8[%dma_wait3A_555, %dma_wait3A_556] : memref<256x128xf32, #tpu.memory_space<vmem>> -> memref<32x128xf32, #tpu.memory_space<vmem>>
    tpu.wait_dma2 semaphore(%arg19 : memref<!tpu.dma_semaphore, #tpu.memory_space<semaphore_mem>>) src(%dma_wait3A_557 : memref<32x128xf32, #tpu.memory_space<vmem>>) dst(%dma_wait3A_554 : memref<32x128xf32, #tpu.memory_space<hbm>>)
    return
  }
}

</mosaic_0001>

<sc_bundles>
// kernel: kernel.3.cloned.1.call-start
scs
__scs_entry_jumppad:
0x0: {  	(pc) =	sbr.rel $0x88, $3  }
0x1: {  	(tag) =	ssettag $0x0;
	lr =	simm.s32 $0x1  }
0x2: {  	[smem:$0x3F9E] =	sst lr;
	_ =	strace $0xD0000000  }
0x3: {  	_ = 	snop  }
0x4: {  	_ = 	snop  }
0x5: {  	_ = 	snop  }
0x6: {  	_ = 	snop  }
0x7: {  	_ = 	snop  }
__scs_overlays_trampoline_lowered:
0x8: {  	[smem:$0x3FAD] =	sst s0  }
0x9: {  	[smem:$0x3FAE] =	sst s1  }
0xa: {  	[smem:$0x3FAF] =	sst s2  }
0xb: {  	[smem:$0x3FB0] =	sst s3  }
0xc: {  	[smem:$0x3FB1] =	sst s4  }
0xd: {  	[smem:$0x3FB2] =	sst s5  }
0xe: {  	[smem:$0x3FB3] =	sst s6  }
0xf: {  	[smem:$0x3FB4] =	sst s7  }
0x10: {  	[smem:$0x3FB5] =	sst s8  }
0x11: {  	[smem:$0x3FB6] =	sst s9;
	s0 =	simm.s32 @!p0 $0x0  }
0x12: {  	s1 =	sld [smem:$0x3F9C];
	s0 =	simm.s32 @p0 $0x1  }
0x13: {  	[smem:$0x3FB7] =	sst s0;
	s0 =	simm.s32 @!p1 $0x0  }
0x14: {  	s2 =	sld [smem:$0x3F9B];
	s0 =	simm.s32 @p1 $0x1  }
0x15: {  	[smem:$0x3FB8] =	sst s0;
	s0 =	simm.s32 @!p2 $0x0  }
0x16: {  	s3 =	sld [smem:$0x3FDB];
	s0 =	simm.s32 @p2 $0x1  }
0x17: {  	s4 =	simm.s32 $0x1BF5;
	[smem:$0x3FBA] =	sst s0  }
0x18: {  	s0 =	sld [smem:$0x3F9D];
	_ =	swait.ge [sflag:s4], $0x0  }
0x19: {  	s7 =	sld [smem:$0x3F9E]  }
0x1a: {  	s8 =	sadd.s32 $0xFFFFE003, lr  }
0x1b: {  	s9 =	sadd.s32 $0xFFFFFEF7, lr;
	s5 =	simm.s32 $0xFFFFFFFF;
	p2 =	slt.u32 s8, $0xFFFFF086  }
0x1c: {  	p1 =	slt.u32 s9, $0xF7A;
	s5 =	simm.s32 @!p2 $0x0  }
0x1d: {  	s5 =	simm.s32 @p1 $0x1;
	p0 =	seq.s32 s7, s2  }
0x1e: {  	s7 =	smul.u32 @!p0 $0xF7A, s2;
	p2 =	seq.s32 @!p0 s5, $0x0  }
0x1f: {  	s9 =	smul.u32 $0xF7A, s1;
	s8 =	simm.s32 @!p0 $0x1BF5;
	p2 =	por !p2, p0  }
0x20: {  	[sflag:s8] =	ssyncset.s32 @!p0 $0xFFFFF086;
	s6 =	sadd.s32 @!p0 s3, s7;
	s7 =	simm.s32 @!p0 $0x108  }
0x21: {  	s3 =	sadd.s32 s3, s9;
	s6 =	sadd.s32 @!p0 $0x88, s6;
	s7 =	simm.s32 @p2 $0x1082  }
0x22: {  	[simem:s7], [sflag:s8] =	dma.local @!p0 [hbm:s6], $0xF7A  }
0x23: {  	s9 =	sor.u32 $0xD0000000, s2;
	s6 =	simm.s32 $0x108;
	_ =	swait.ge @!p0 [sflag:s8], $0x0  }
0x24: {  	s3 =	sadd.s32 $0x88, s3;
	s6 =	simm.s32 @!p1 $0x1082;
	[sflag:s4] =	ssyncset.s32 $0xFFFFF086  }
0x25: {  	[simem:s6], [sflag:s4] =	dma.local [hbm:s3], $0xF7A  }
0x26: {  	[smem:$0x3F9E] =	sst s1;
	(tag) =	ssettag s2;
	_ =	strace s9  }
0x27: {  	s1 =	sld [smem:$0x3FAE]  }
0x28: {  	s2 =	sld [smem:$0x3FAF]  }
0x29: {  	s4 =	sld [smem:$0x3FB1]  }
0x2a: {  	p0 =	seq.s32 s5, $0x0;
	s5 =	sld [smem:$0x3FB2]  }
0x2b: {  	s6 =	sld [smem:$0x3FB3]  }
0x2c: {  	s7 =	sld [smem:$0x3FB4]  }
0x2d: {  	s3 =	simm.s32 $0x108;
	s8 =	sld [smem:$0x3FB5]  }
0x2e: {  	s3 =	simm.s32 @!p0 $0x1082;
	s9 =	sld [smem:$0x3FB6]  }
0x2f: {  	lr =	sadd.s32 s0, s3;
	s0 =	sld [smem:$0x3FAD]  }
0x30: {  	s3 =	sld [smem:$0x3FB0]  }
0x31: {  	[smem:$0x3FB9] =	sst s10  }
0x32: {  	s10 =	sld [smem:$0x3FB7];
	_ =	sdelay $0x3  }
0x33: {  	p0 =	seq.s32 s10, $0x1;
	s10 =	sld [smem:$0x3FB9];
	_ =	sdelay $0x3  }
0x34: {  	[smem:$0x3FB9] =	sst s10  }
0x35: {  	s10 =	sld [smem:$0x3FB8];
	_ =	sdelay $0x3  }
0x36: {  	p1 =	seq.s32 s10, $0x1;
	s10 =	sld [smem:$0x3FB9];
	_ =	sdelay $0x3  }
0x37: {  	[smem:$0x3FB9] =	sst s10  }
0x38: {  	s10 =	sld [smem:$0x3FBA]  }
0x39: {  	_ = 	snop;
	(pc) =	sbr.ind lr, $3  }
0x3a: {  	_ = 	snop  }
0x3b: {  	_ = 	snop  }
0x3c: {  	p2 =	seq.s32 s10, $0x1;
	s10 =	sld [smem:$0x3FB9]  }
0x3d: {  	_ =	shalt  }
0x3e: {  	_ =	shalt  }
0x3f: {  	_ =	shalt  }
0x40: {  	_ =	shalt  }
0x41: {  	_ =	shalt  }
0x42: {  	_ =	shalt  }
0x43: {  	_ =	shalt  }
0x44: {  	_ =	shalt  }
0x45: {  	_ =	shalt  }
0x46: {  	_ =	shalt  }
0x47: {  	_ =	shalt  }
0x48: {  	_ =	shalt  }
0x49: {  	_ =	shalt  }
0x4a: {  	_ =	shalt  }
0x4b: {  	_ =	shalt  }
0x4c: {  	_ =	shalt  }
0x4d: {  	_ =	shalt  }
0x4e: {  	_ =	shalt  }
0x4f: {  	_ =	shalt  }
0x50: {  	_ =	shalt  }
0x51: {  	_ =	shalt  }
0x52: {  	_ =	shalt  }
0x53: {  	_ =	shalt  }
0x54: {  	_ =	shalt  }
0x55: {  	_ =	shalt  }
0x56: {  	_ =	shalt  }
0x57: {  	_ =	shalt  }
0x58: {  	_ =	shalt  }
0x59: {  	_ =	shalt  }
0x5a: {  	_ =	shalt  }
0x5b: {  	_ =	shalt  }
0x5c: {  	_ =	shalt  }
0x5d: {  	_ =	shalt  }
0x5e: {  	_ =	shalt  }
0x5f: {  	_ =	shalt  }
0x60: {  	_ =	shalt  }
0x61: {  	_ =	shalt  }
0x62: {  	_ =	shalt  }
0x63: {  	_ =	shalt  }
0x64: {  	_ =	shalt  }
0x65: {  	_ =	shalt  }
0x66: {  	_ =	shalt  }
0x67: {  	_ =	shalt  }
0x68: {  	_ =	shalt  }
0x69: {  	_ =	shalt  }
0x6a: {  	_ =	shalt  }
0x6b: {  	_ =	shalt  }
0x6c: {  	_ =	shalt  }
0x6d: {  	_ =	shalt  }
0x6e: {  	_ =	shalt  }
0x6f: {  	_ =	shalt  }
0x70: {  	_ =	shalt  }
0x71: {  	_ =	shalt  }
0x72: {  	_ =	shalt  }
0x73: {  	_ =	shalt  }
0x74: {  	_ =	shalt  }
0x75: {  	_ =	shalt  }
0x76: {  	_ =	shalt  }
0x77: {  	_ =	shalt  }
0x78: {  	_ =	shalt  }
0x79: {  	_ =	shalt  }
0x7a: {  	_ =	shalt  }
0x7b: {  	_ =	shalt  }
0x7c: {  	_ =	shalt  }
0x7d: {  	_ =	shalt  }
0x7e: {  	_ =	shalt  }
0x7f: {  	_ =	shalt  }
0x80: {  	_ =	shalt  }
0x81: {  	_ =	shalt  }
0x82: {  	_ =	shalt  }
0x83: {  	_ =	shalt  }
0x84: {  	_ =	shalt  }
0x85: {  	_ =	shalt  }
0x86: {  	_ =	shalt  }
0x87: {  	_ =	shalt  }
.Lfunc_end0:
.L_simem_size_0:
called_computation_lowered:
.L_overlay_start_0:
0x88: {  	s2 =	sld [smem:$0x3FD9]  }
0x89: {  	s3 =	sld [smem:$0x3FFE];
	_ =	sdelay $0x1  }
0x8a: {  	s1 =	srdreg.scid  }
0x8b: {  	s0 =	sand.u32 $0x1, s1  }
0x8c: {  	s18 =	sshll.u32 s0, $0xA;
	s2 =	sadd.s32 s3, s2  }
0x8d: {  	s2 =	sadd.s32 s2, s18  }
0x8e: {  	[smem:$0x3FC5] =	sst s2  }
0x8f: {  	_ = 	snop  }
0x90: {  	s2 =	sld [smem:$0x3FC9]  }
0x91: {  	s19 =	sld [smem:$0x3FC8]  }
0x92: {  	s4 =	sld [smem:$0x3FC7]  }
0x93: {  	s5 =	sld [smem:$0x3FD0];
	(tm) =	ssettm $0x1  }
0x94: {  	s6 =	sld [smem:$0x3FFB];
	_ =	sdelay $0x3  }
0x95: {  	_ =	strace s6  }
0x96: {  	s6 =	sld [smem:$0x3FFC];
	_ =	sdelay $0x3  }
0x97: {  	_ =	strace s6  }
0x98: {  	s6 =	sld [smem:$0x3FFD];
	_ =	sdelay $0x3  }
0x99: {  	_ =	strace s6  }
0x9a: {  	_ =	strace $0x8FFFFFFF  }
0x9b: {  	s20 =	sld [smem:$0x3FDB];
	_ =	sdelay $0x1  }
0x9c: {  	s7 =	simm.s32 $_scs_section_size  }
0x9d: {  	s8 =	simm.s32 $_size__tile_overlayer_lowered;
	s9 =	simm.s32 $_tile_overlayer_lowered  }
0x9e: {  	s23 =	simm.s32 $0x1BFF;
	s22 =	sshll.u32 s9, $0x1;
	s6 =	sadd.s32 s7, s20  }
0x9f: {  	s10 =	simm.s32 $0x0;
	s21 =	sshll.u32 s8, $0x1;
	s8 =	sadd.s32 s22, s6  }
0xa0: {  	[timem:s10], [sflag:s23] =	dma.local [hbm:s8], s21  }
0xa1: {  	_ =	swait.ge [sflag:s23], s21  }
0xa2: {  	s7 =	ssub.s32 $0x0, s21;
	[sflag:s23] =	ssyncset.done $0x0  }
0xa3: {  	[sflag:s23] =	ssyncadd.s32 s7;
	_ =	sdelay $0x1  }
0xa4: {  	s24 =	simm.s32 $0x1B8B  }
0xa5: {  	_ =	swait.ge [sflag:s24], $0x1  }
0xa6: {  	[sflag:s24] =	ssyncset.done $0x0  }
0xa7: {  	s25 =	simm.s32 $0x1B8E;
	[sflag:s24] =	ssyncadd.s32 $0xFFFFFFFF  }
0xa8: {  	s26 =	simm.s32 $execute0_lowered;
	[smem:$0x3FD2] =	sst s25  }
0xa9: {  	s7 =	sshll.u32 s26, $0x1;
	_ =	strace $0x80000046;
	[dreg:$0x1] =	wrdreg $0xFFFFFFFF  }
0xaa: {  	s28 =	simm.s32 $_size_execute0_lowered;
	s6 =	sadd.s32 s6, s7;
	[dreg:$0x0] =	wrdreg $0x0  }
0xab: {  	s7 =	sshll.u32 s28, $0x1;
	[dreg:$0x2] =	wrdreg s6  }
0xac: {  	[dreg:$0x3] =	wrdreg s7  }
0xad: {  	[dreg:$0x4] =	wrdreg $0xC0  }
0xae: {  	_ =	task [dreg:s10], $0x5FFFF  }
0xaf: {  	[dreg:$0x1] =	wrdreg $0xFFFFFFFF  }
0xb0: {  	[dreg:$0x0] =	wrdreg $0x60  }
0xb1: {  	[dreg:$0x2] =	wrdreg s2  }
0xb2: {  	[dreg:$0x3] =	wrdreg s19  }
0xb3: {  	[dreg:$0x4] =	wrdreg s4  }
0xb4: {  	[dreg:$0x5] =	wrdreg s5  }
0xb5: {  	[dreg:$0x6] =	wrdreg $0x9  }
0xb6: {  	_ =	task.clear_ibuf [dreg:s10], $0x7FFFF;
	_ =	strace $0x90000046  }
0xb7: {  	s29 =	simm.s32 $0x9;
	_ =	strace $0x80000048  }
0xb8: {  	_ =	swait.ge [sflag:s29], $0x1  }
0xb9: {  	[sflag:s29] =	ssyncadd.s32 $0xFFFFFFFF  }
0xba: {  	_ =	strace $0x90000048  }
0xbb: {  	_ =	sfence  }
0xbc: {  	s30 =	sld [smem:$0x0];
	_ =	sdelay $0x2  }
0xbd: {  	s31 =	sshll.u32 s1, $0xD;
	s1 =	sshrl.u32 s1, $0x2  }
0xbe: {  	s3 =	sand.u32 $0x4000, s31;
	s1 =	sadd.s32 s1, s30  }
0xbf: {  	s0 =	sor.u32 s3, s0;
	s1 =	sshll.u32 s1, $0x11  }
0xc0: {  	s0 =	sor.u32 s1, s0  }
0xc1: {  	s0 =	sadd.s32 $0x8F2B, s0  }
0xc2: {  	[sflag:s0] =	ssyncadd.remote.s32 $0x1  }
0xc3: {  	_ =	sfence.sel $0xFFFF  }
0xc4: {  	[dreg:$0x0] =	wrdreg $0xFFFFFFFF;
	(pc) =	sbr.abs _section_cstart, $3  }
0xc5: {  	[dreg:$0x1] =	wrdreg $0xFFFFFFFF  }
0xc6: {  	_ =	task.clear_ibuf [dreg:s10], $0x2FFFF;
	_ =	strace $0x9FFFFFFF  }
0xc7: {  	(tm) =	ssettm $0x7FFFFFFF  }
tec
execute0_lowered:
.L_overlay_start_1:
0x0: {  	(tag) =	ssettag $0x1  }
0x1: {  	s0 =	rddreg [dreg:$0x0]  }
0x2: {  	s1 =	rddreg [dreg:$0x1]  }
0x3: {  	s2 =	srdreg.scid;
	s4 =	rddreg [dreg:$0x2]  }
0x4: {  	s3 =	stileid.u32;
	s6 =	rddreg [dreg:$0x3];
	s14 =	simm.s32 $0x180  }
0x5: {  	s28 =	simm.s32 $0x3200;
	s29 =	simm.s32 $0x4200;
	s31 =	simm.s32 $0x5200  }
0x6: {  	s30 =	simm.s32 $0x8200;
	s10 =	simm.s32 $0x4;
	s18 =	simm.s32 $0x5  }
0x7: {  	s11 =	simm.s32 $0x6;
	s12 =	simm.s32 $0x8;
	s2 =	sand.u32 $0x1, s2  }
0x8: {  	s3 =	sshll.u32 s3, $0x7;
	s5 =	sshll.u32 s2, $0x6;
	s2 =	ssub.s32 $0x2, s2  }
0x9: {  	s7 =	sor.u32 s5, s3;
	s3 =	simm.s32 $0x0;
	s19 =	sshrl.u32 s2, $0x1  }
0xa: {  	s8 =	sshll.u32 s7, $0x2;
	[smem:$0x7FF] =	sst s3;
	s2 =	ssub.s32 s2, s19  }
0xb: {  	s7 =	sshll.u32 s7, $0x4;
	s19 =	simm.s32 $0x7;
	s9 =	sand.u32 $0x1E00, s8  }
0xc: {  	_ =	strace $0x80000047;
	s9 =	sor.u32 s5, s9;
	s5 =	sor.u32 s5, s8  }
0xd: {  	s17 =	smax.u32 s2, $0x1;
	s9 =	sshrl.u32 s9, $0x3;
	s5 =	sshrl.u32 s5, $0x3  }
0xe: {  	s2 =	simm.s32 $0x6200;
	s9 =	sadd.s32 s0, s9;
	s21 =	sor.u32 $0x20, s5  }
0xf: {  	s5 =	sor.u32 $0x30, s5;
	[dreg:$0x5] =	wrdreg s9;
	s20 =	sadd.s32 $0x10, s9  }
0x10: {  	s8 =	sadd.s32 s0, s21;
	s0 =	sadd.s32 s0, s5;
	[dreg:$0x6] =	wrdreg s20  }
0x11: {  	s9 =	sadd.s32 s6, s7;
	s21 =	simm.s32 $0x7200;
	[dreg:$0x7] =	wrdreg s8  }
0x12: {  	s5 =	simm.s32 $0x1;
	s6 =	simm.s32 $0x2;
	[dreg:$0x8] =	wrdreg s0  }
0x13: {  	s8 =	sadd.s32 s4, s7;
	s22 =	sadd.s32 $0x200, s9;
	s23 =	sadd.s32 $0x8000, s9  }
0x14: {  	s24 =	sadd.s32 $0x8200, s9;
	s25 =	sadd.s32 $0x10000, s9;
	[dreg:$0x9] =	wrdreg s22  }
0x15: {  	s26 =	sadd.s32 $0x10200, s9;
	s15 =	sadd.s32 $0x18000, s9;
	[dreg:$0xa] =	wrdreg s23  }
0x16: {  	s16 =	sadd.s32 $0x18200, s9;
	s0 =	simm.s32 $0x9200;
	[dreg:$0xb] =	wrdreg s24  }
0x17: {  	s7 =	simm.s32 $0x3;
	s20 =	simm.s32 $0x0;
	[dreg:$0xc] =	wrdreg s25  }
0x18: {  	[dreg:$0xd] =	wrdreg s26;
	s22 =	simm.s32 $0x2200;
	s23 =	simm.s32 $0xB  }
0x19: {  	s24 =	simm.s32 $0xA;
	s25 =	simm.s32 $0x9;
	s26 =	simm.s32 $0x20  }
.LBB2_1:
0x1a: {  	s4 =	rddreg [dreg:$0x5]  }
0x1b: {  	[tilespmem:s3], [sflag:$0xB] =	stream.linear.gather [hbm4b:s4+s3], $0x40, $0x38;
	[tilespmem:$0xA200] =	vst v63  }
0x1c: {  	s13 =	simm.s32 $0x80;
	s4 =	rddreg [dreg:$0x6]  }
0x1d: {  	[tilespmem:s13], [sflag:$0xB] =	stream.linear.gather [hbm4b:s4+s3], $0x40, $0x38;
	[tilespmem:$0xA200] =	vst v63  }
0x1e: {  	s4 =	rddreg [dreg:$0x7];
	s13 =	simm.s32 $0x100  }
0x1f: {  	[tilespmem:s13], [sflag:$0xB] =	stream.linear.gather [hbm4b:s4+s3], $0x40, $0x38;
	[tilespmem:$0xA200] =	vst v63  }
0x20: {  	s13 =	rddreg [dreg:$0x8]  }
0x21: {  	[tilespmem:s14], [sflag:$0xB] =	stream.linear.gather [hbm4b:s13+s3], $0x40, $0x38;
	[tilespmem:$0xA200] =	vst v63  }
0x22: {  	s14 =	simm.s32 $0x200  }
0x23: {  	[tilespmem:s14], [sflag:$0xA] =	stream.linear.gather [hbm4b:s8+s3], $0x2000, $0x38;
	[tilespmem:$0xA200] =	vst v63  }
0x24: {  	_ = 	snop  }
0x25: {  	[tilespmem:s22], [sflag:$0x9] =	stream.linear.gather [hbm4b:s8+s3], $0x2000, $0x38;
	[tilespmem:$0xA200] =	vst v63  }
0x26: {  	_ =	swait.ge [sflag:s23], $0x40  }
0x27: {  	[sflag:s23] =	ssyncset.done $0x0  }
0x28: {  	[sflag:s23] =	ssyncadd.s32 $0xFFFFFFC0  }
0x29: {  	_ =	swait.ge [sflag:s23], $0x40  }
0x2a: {  	[sflag:s23] =	ssyncset.done $0x0  }
0x2b: {  	[sflag:s23] =	ssyncadd.s32 $0xFFFFFFC0  }
0x2c: {  	_ =	swait.ge [sflag:s23], $0x40  }
0x2d: {  	[sflag:s23] =	ssyncset.done $0x0  }
0x2e: {  	[sflag:s23] =	ssyncadd.s32 $0xFFFFFFC0  }
0x2f: {  	_ =	swait.ge [sflag:s23], $0x40  }
0x30: {  	[sflag:s23] =	ssyncset.done $0x0  }
0x31: {  	[sflag:s23] =	ssyncadd.s32 $0xFFFFFFC0  }
0x32: {  	_ =	swait.ge [sflag:s24], $0x2000  }
0x33: {  	[sflag:s24] =	ssyncset.done $0x0  }
0x34: {  	s13 =	simm.s32 $0x0;
	[sflag:s24] =	ssyncadd.s32 $0xFFFFE000  }
0x35: {  	v0 =	vld [tilespmem:s13+$0x2F0]  }
0x36: {  	v1 =	vld [tilespmem:s13+$0x200]  }
0x37: {  	v2 =	vld [tilespmem:s13+$0x280]  }
0x38: {  	v3 =	vld [tilespmem:s13+$0x210]  }
0x39: {  	v4 =	vld [tilespmem:s13+$0x290]  }
0x3a: {  	v5 =	vld [tilespmem:s13+$0x220];
	[tilespmem:s13+$0x42F0] =	vst v0  }
0x3b: {  	[tilespmem:s13+$0x4200] =	vst v1;
	v0 =	vld [tilespmem:s13+$0x2A0]  }
0x3c: {  	[tilespmem:s13+$0x4280] =	vst v2;
	v1 =	vld [tilespmem:s13+$0x230]  }
0x3d: {  	[tilespmem:s13+$0x4210] =	vst v3;
	v2 =	vld [tilespmem:s13+$0x2B0]  }
0x3e: {  	[tilespmem:s13+$0x4290] =	vst v4;
	v3 =	vld [tilespmem:s13+$0x240]  }
0x3f: {  	[tilespmem:s13+$0x4220] =	vst v5;
	v4 =	vld [tilespmem:s13+$0x2C0]  }
0x40: {  	[tilespmem:s13+$0x42A0] =	vst v0;
	v0 =	vld [tilespmem:s13+$0x250]  }
0x41: {  	[tilespmem:s13+$0x4230] =	vst v1;
	v1 =	vld [tilespmem:s13+$0x2D0]  }
0x42: {  	[tilespmem:s13+$0x42B0] =	vst v2;
	v2 =	vld [tilespmem:s13+$0x260]  }
0x43: {  	[tilespmem:s13+$0x4240] =	vst v3;
	v3 =	vld [tilespmem:s13+$0x2E0]  }
0x44: {  	s4 =	simm.s32 $0x800;
	s14 =	simm.s32 $0x100;
	[tilespmem:s13+$0x42C0] =	vst v4;
	v4 =	vld [tilespmem:s13+$0x270]  }
.LBB2_2:
0x45: {  	p0 =	sne.s32 s4, $0x7C00;
	v5 =	vld [tilespmem:s14+$0x2F0];
	[tilespmem:s13+$0x4250] =	vst v0  }
0x46: {  	v0 =	vld [tilespmem:s14+$0x200];
	[tilespmem:s13+$0x42D0] =	vst v1  }
0x47: {  	v1 =	vld [tilespmem:s14+$0x280];
	[tilespmem:s13+$0x4260] =	vst v2  }
0x48: {  	v2 =	vld [tilespmem:s14+$0x210];
	[tilespmem:s13+$0x42E0] =	vst v3  }
0x49: {  	v3 =	vld [tilespmem:s14+$0x290];
	[tilespmem:s13+$0x4270] =	vst v4;
	s13 =	smov.u32 s14  }
0x4a: {  	v4 =	vld [tilespmem:s13+$0x220];
	[tilespmem:s13+$0x42F0] =	vst v5  }
0x4b: {  	[tilespmem:s13+$0x4200] =	vst v0;
	v0 =	vld [tilespmem:s13+$0x2A0]  }
0x4c: {  	[tilespmem:s13+$0x4280] =	vst v1;
	v1 =	vld [tilespmem:s13+$0x230]  }
0x4d: {  	[tilespmem:s13+$0x4210] =	vst v2;
	v2 =	vld [tilespmem:s13+$0x2B0]  }
0x4e: {  	[tilespmem:s13+$0x4290] =	vst v3;
	v3 =	vld [tilespmem:s13+$0x240]  }
0x4f: {  	[tilespmem:s13+$0x4220] =	vst v4;
	v4 =	vld [tilespmem:s13+$0x2C0]  }
.Ltmp0:
0x50: {  	[tilespmem:s13+$0x42A0] =	vst v0;
	v0 =	vld [tilespmem:s13+$0x250];
	(pc) =	sbr.rel @p0 .LBB2_2-.Ltmp0, $4  }
0x51: {  	[tilespmem:s13+$0x4230] =	vst v1;
	v1 =	vld [tilespmem:s13+$0x2D0]  }
0x52: {  	[tilespmem:s13+$0x42B0] =	vst v2;
	v2 =	vld [tilespmem:s13+$0x260]  }
0x53: {  	[tilespmem:s13+$0x4240] =	vst v3;
	v3 =	vld [tilespmem:s13+$0x2E0]  }
0x54: {  	s14 =	sshra.s32 s4, $0x2;
	s4 =	sadd.s32 $0x400, s4;
	[tilespmem:s13+$0x42C0] =	vst v4;
	v4 =	vld [tilespmem:s13+$0x270]  }
0x55: {  	v5 =	vld [tilespmem:s14+$0x2F0];
	[tilespmem:s13+$0x4250] =	vst v0  }
0x56: {  	v0 =	vld [tilespmem:s14+$0x200];
	[tilespmem:s13+$0x42D0] =	vst v1  }
0x57: {  	v1 =	vld [tilespmem:s14+$0x280];
	[tilespmem:s13+$0x4260] =	vst v2  }
0x58: {  	v2 =	vld [tilespmem:s14+$0x210];
	[tilespmem:s13+$0x42E0] =	vst v3  }
0x59: {  	v3 =	vld [tilespmem:s14+$0x290];
	[tilespmem:s13+$0x4270] =	vst v4  }
0x5a: {  	v4 =	vld [tilespmem:s14+$0x220];
	[tilespmem:s14+$0x42F0] =	vst v5  }
0x5b: {  	[tilespmem:s14+$0x4200] =	vst v0;
	v0 =	vld [tilespmem:s14+$0x2A0]  }
0x5c: {  	[tilespmem:s14+$0x4280] =	vst v1;
	v1 =	vld [tilespmem:s14+$0x230]  }
0x5d: {  	[tilespmem:s14+$0x4210] =	vst v2;
	v2 =	vld [tilespmem:s14+$0x2B0]  }
0x5e: {  	[tilespmem:s14+$0x4290] =	vst v3;
	v3 =	vld [tilespmem:s14+$0x240]  }
0x5f: {  	[tilespmem:s14+$0x4220] =	vst v4;
	v4 =	vld [tilespmem:s14+$0x2C0]  }
0x60: {  	[tilespmem:s14+$0x42A0] =	vst v0;
	v0 =	vld [tilespmem:s14+$0x250]  }
0x61: {  	[tilespmem:s14+$0x4230] =	vst v1;
	v1 =	vld [tilespmem:s14+$0x2D0]  }
0x62: {  	[tilespmem:s14+$0x42B0] =	vst v2;
	v2 =	vld [tilespmem:s14+$0x260]  }
0x63: {  	[tilespmem:s14+$0x4240] =	vst v3;
	v3 =	vld [tilespmem:s14+$0x2E0]  }
0x64: {  	[tilespmem:s14+$0x42C0] =	vst v4;
	v4 =	vld [tilespmem:s14+$0x270]  }
0x65: {  	[tilespmem:s14+$0x4250] =	vst v0  }
0x66: {  	[tilespmem:s14+$0x42D0] =	vst v1  }
0x67: {  	[tilespmem:s14+$0x4260] =	vst v2  }
0x68: {  	[tilespmem:s14+$0x42E0] =	vst v3  }
0x69: {  	[tilespmem:s14+$0x4270] =	vst v4  }
0x6a: {  	_ =	swait.ge [sflag:s25], $0x2000  }
0x6b: {  	[sflag:s25] =	ssyncset.done $0x0  }
0x6c: {  	s4 =	simm.s32 $0x0;
	[sflag:s25] =	ssyncadd.s32 $0xFFFFE000  }
0x6d: {  	[tilespmem:s22], [sflag:$0x1] =	stream.indirect.gather.add.f32 [hbm:s1], $0x80, s4, s26, $0xb8;
	[tilespmem:$0xA200] =	vst v63  }
0x6e: {  	_ = 	snop  }
0x6f: {  	[tilespmem:s28], [sflag:$0x2] =	stream.indirect.gather.add.f32 [hbm:s1], $0x80, s26, s26, $0xb8;
	[tilespmem:$0xA200] =	vst v63  }
0x70: {  	s13 =	simm.s32 $0x80  }
0x71: {  	[tilespmem:s29], [sflag:$0x3] =	stream.indirect.gather.add.f32 [hbm:s1], $0x80, s13, s26, $0xb8;
	[tilespmem:$0xA200] =	vst v63  }
0x72: {  	s14 =	simm.s32 $0xA0;
	s13 =	simm.s32 $0x0  }
0x73: {  	[tilespmem:s31], [sflag:$0x4] =	stream.indirect.gather.add.f32 [hbm:s1], $0x80, s14, s26, $0xb8;
	[tilespmem:$0xA200] =	vst v63  }
0x74: {  	v0 =	vld [tilespmem:s13+$0x2F0]  }
0x75: {  	v1 =	vld [tilespmem:s13+$0x200]  }
0x76: {  	v2 =	vld [tilespmem:s13+$0x280]  }
0x77: {  	v3 =	vld [tilespmem:s13+$0x210]  }
0x78: {  	v4 =	vld [tilespmem:s13+$0x290]  }
0x79: {  	v5 =	vld [tilespmem:s13+$0x220];
	[tilespmem:s13+$0x62F0] =	vst v0  }
0x7a: {  	[tilespmem:s13+$0x6200] =	vst v1;
	v0 =	vld [tilespmem:s13+$0x2A0]  }
0x7b: {  	[tilespmem:s13+$0x6280] =	vst v2;
	v1 =	vld [tilespmem:s13+$0x230]  }
0x7c: {  	[tilespmem:s13+$0x6210] =	vst v3;
	v2 =	vld [tilespmem:s13+$0x2B0]  }
0x7d: {  	[tilespmem:s13+$0x6290] =	vst v4;
	v3 =	vld [tilespmem:s13+$0x240]  }
0x7e: {  	[tilespmem:s13+$0x6220] =	vst v5;
	v4 =	vld [tilespmem:s13+$0x2C0]  }
0x7f: {  	[tilespmem:s13+$0x62A0] =	vst v0;
	v0 =	vld [tilespmem:s13+$0x250]  }
0x80: {  	[tilespmem:s13+$0x6230] =	vst v1;
	v1 =	vld [tilespmem:s13+$0x2D0]  }
0x81: {  	[tilespmem:s13+$0x62B0] =	vst v2;
	v2 =	vld [tilespmem:s13+$0x260]  }
0x82: {  	[tilespmem:s13+$0x6240] =	vst v3;
	v3 =	vld [tilespmem:s13+$0x2E0]  }
0x83: {  	s4 =	simm.s32 $0x800;
	s14 =	simm.s32 $0x100;
	[tilespmem:s13+$0x62C0] =	vst v4;
	v4 =	vld [tilespmem:s13+$0x270]  }
.LBB2_4:
0x84: {  	p0 =	sne.s32 s4, $0x7C00;
	v5 =	vld [tilespmem:s14+$0x2F0];
	[tilespmem:s13+$0x6250] =	vst v0  }
0x85: {  	v0 =	vld [tilespmem:s14+$0x200];
	[tilespmem:s13+$0x62D0] =	vst v1  }
0x86: {  	v1 =	vld [tilespmem:s14+$0x280];
	[tilespmem:s13+$0x6260] =	vst v2  }
0x87: {  	v2 =	vld [tilespmem:s14+$0x210];
	[tilespmem:s13+$0x62E0] =	vst v3  }
0x88: {  	v3 =	vld [tilespmem:s14+$0x290];
	[tilespmem:s13+$0x6270] =	vst v4;
	s13 =	smov.u32 s14  }
0x89: {  	v4 =	vld [tilespmem:s13+$0x220];
	[tilespmem:s13+$0x62F0] =	vst v5  }
0x8a: {  	[tilespmem:s13+$0x6200] =	vst v0;
	v0 =	vld [tilespmem:s13+$0x2A0]  }
0x8b: {  	[tilespmem:s13+$0x6280] =	vst v1;
	v1 =	vld [tilespmem:s13+$0x230]  }
0x8c: {  	[tilespmem:s13+$0x6210] =	vst v2;
	v2 =	vld [tilespmem:s13+$0x2B0]  }
0x8d: {  	[tilespmem:s13+$0x6290] =	vst v3;
	v3 =	vld [tilespmem:s13+$0x240]  }
0x8e: {  	[tilespmem:s13+$0x6220] =	vst v4;
	v4 =	vld [tilespmem:s13+$0x2C0]  }
.Ltmp1:
0x8f: {  	[tilespmem:s13+$0x62A0] =	vst v0;
	v0 =	vld [tilespmem:s13+$0x250];
	(pc) =	sbr.rel @p0 .LBB2_4-.Ltmp1, $4  }
0x90: {  	[tilespmem:s13+$0x6230] =	vst v1;
	v1 =	vld [tilespmem:s13+$0x2D0]  }
0x91: {  	[tilespmem:s13+$0x62B0] =	vst v2;
	v2 =	vld [tilespmem:s13+$0x260]  }
0x92: {  	[tilespmem:s13+$0x6240] =	vst v3;
	v3 =	vld [tilespmem:s13+$0x2E0]  }
0x93: {  	s14 =	sshra.s32 s4, $0x2;
	s4 =	sadd.s32 $0x400, s4;
	[tilespmem:s13+$0x62C0] =	vst v4;
	v4 =	vld [tilespmem:s13+$0x270]  }
0x94: {  	v5 =	vld [tilespmem:s14+$0x2F0];
	[tilespmem:s13+$0x6250] =	vst v0  }
0x95: {  	v0 =	vld [tilespmem:s14+$0x200];
	[tilespmem:s13+$0x62D0] =	vst v1  }
0x96: {  	v1 =	vld [tilespmem:s14+$0x280];
	[tilespmem:s13+$0x6260] =	vst v2  }
0x97: {  	v2 =	vld [tilespmem:s14+$0x210];
	[tilespmem:s13+$0x62E0] =	vst v3  }
0x98: {  	v3 =	vld [tilespmem:s14+$0x290];
	[tilespmem:s13+$0x6270] =	vst v4  }
0x99: {  	v4 =	vld [tilespmem:s14+$0x220];
	[tilespmem:s14+$0x62F0] =	vst v5  }
0x9a: {  	[tilespmem:s14+$0x6200] =	vst v0;
	v0 =	vld [tilespmem:s14+$0x2A0]  }
0x9b: {  	[tilespmem:s14+$0x6280] =	vst v1;
	v1 =	vld [tilespmem:s14+$0x230]  }
0x9c: {  	[tilespmem:s14+$0x6210] =	vst v2;
	v2 =	vld [tilespmem:s14+$0x2B0]  }
0x9d: {  	[tilespmem:s14+$0x6290] =	vst v3;
	v3 =	vld [tilespmem:s14+$0x240]  }
0x9e: {  	[tilespmem:s14+$0x6220] =	vst v4;
	v4 =	vld [tilespmem:s14+$0x2C0]  }
0x9f: {  	[tilespmem:s14+$0x62A0] =	vst v0;
	v0 =	vld [tilespmem:s14+$0x250]  }
0xa0: {  	[tilespmem:s14+$0x6230] =	vst v1;
	v1 =	vld [tilespmem:s14+$0x2D0]  }
0xa1: {  	[tilespmem:s14+$0x62B0] =	vst v2;
	v2 =	vld [tilespmem:s14+$0x260]  }
0xa2: {  	[tilespmem:s14+$0x6240] =	vst v3;
	v3 =	vld [tilespmem:s14+$0x2E0]  }
0xa3: {  	[tilespmem:s14+$0x62C0] =	vst v4;
	v4 =	vld [tilespmem:s14+$0x270]  }
0xa4: {  	[tilespmem:s14+$0x6250] =	vst v0  }
0xa5: {  	[tilespmem:s14+$0x62D0] =	vst v1  }
0xa6: {  	[tilespmem:s14+$0x6260] =	vst v2  }
0xa7: {  	[tilespmem:s14+$0x62E0] =	vst v3  }
0xa8: {  	s4 =	simm.s32 $0x100;
	[tilespmem:s14+$0x6270] =	vst v4  }
0xa9: {  	[tilespmem:s2], [sflag:$0x5] =	stream.indirect.gather.add.f32 [hbm:s1], $0x80, s4, s26, $0xb8;
	[tilespmem:$0xA200] =	vst v63  }
0xaa: {  	s13 =	simm.s32 $0x0;
	s14 =	simm.s32 $0x120  }
0xab: {  	[tilespmem:s21], [sflag:$0x6] =	stream.indirect.gather.add.f32 [hbm:s1], $0x80, s14, s26, $0xb8;
	[tilespmem:$0xA200] =	vst v63  }
0xac: {  	v0 =	vld [tilespmem:s13+$0x2F0]  }
0xad: {  	v1 =	vld [tilespmem:s13+$0x200]  }
0xae: {  	v2 =	vld [tilespmem:s13+$0x280]  }
0xaf: {  	v3 =	vld [tilespmem:s13+$0x210]  }
0xb0: {  	v4 =	vld [tilespmem:s13+$0x290]  }
0xb1: {  	v5 =	vld [tilespmem:s13+$0x220];
	[tilespmem:s13+$0x82F0] =	vst v0  }
0xb2: {  	[tilespmem:s13+$0x8200] =	vst v1;
	v0 =	vld [tilespmem:s13+$0x2A0]  }
0xb3: {  	[tilespmem:s13+$0x8280] =	vst v2;
	v1 =	vld [tilespmem:s13+$0x230]  }
0xb4: {  	[tilespmem:s13+$0x8210] =	vst v3;
	v2 =	vld [tilespmem:s13+$0x2B0]  }
0xb5: {  	[tilespmem:s13+$0x8290] =	vst v4;
	v3 =	vld [tilespmem:s13+$0x240]  }
0xb6: {  	[tilespmem:s13+$0x8220] =	vst v5;
	v4 =	vld [tilespmem:s13+$0x2C0]  }
0xb7: {  	[tilespmem:s13+$0x82A0] =	vst v0;
	v0 =	vld [tilespmem:s13+$0x250]  }
0xb8: {  	[tilespmem:s13+$0x8230] =	vst v1;
	v1 =	vld [tilespmem:s13+$0x2D0]  }
0xb9: {  	[tilespmem:s13+$0x82B0] =	vst v2;
	v2 =	vld [tilespmem:s13+$0x260]  }
0xba: {  	[tilespmem:s13+$0x8240] =	vst v3;
	v3 =	vld [tilespmem:s13+$0x2E0]  }
0xbb: {  	s4 =	simm.s32 $0x800;
	s14 =	simm.s32 $0x100;
	[tilespmem:s13+$0x82C0] =	vst v4;
	v4 =	vld [tilespmem:s13+$0x270]  }
.LBB2_6:
0xbc: {  	p0 =	sne.s32 s4, $0x7C00;
	v5 =	vld [tilespmem:s14+$0x2F0];
	[tilespmem:s13+$0x8250] =	vst v0  }
0xbd: {  	v0 =	vld [tilespmem:s14+$0x200];
	[tilespmem:s13+$0x82D0] =	vst v1  }
0xbe: {  	v1 =	vld [tilespmem:s14+$0x280];
	[tilespmem:s13+$0x8260] =	vst v2  }
0xbf: {  	v2 =	vld [tilespmem:s14+$0x210];
	[tilespmem:s13+$0x82E0] =	vst v3  }
0xc0: {  	v3 =	vld [tilespmem:s14+$0x290];
	[tilespmem:s13+$0x8270] =	vst v4;
	s13 =	smov.u32 s14  }
0xc1: {  	v4 =	vld [tilespmem:s13+$0x220];
	[tilespmem:s13+$0x82F0] =	vst v5  }
0xc2: {  	[tilespmem:s13+$0x8200] =	vst v0;
	v0 =	vld [tilespmem:s13+$0x2A0]  }
0xc3: {  	[tilespmem:s13+$0x8280] =	vst v1;
	v1 =	vld [tilespmem:s13+$0x230]  }
0xc4: {  	[tilespmem:s13+$0x8210] =	vst v2;
	v2 =	vld [tilespmem:s13+$0x2B0]  }
0xc5: {  	[tilespmem:s13+$0x8290] =	vst v3;
	v3 =	vld [tilespmem:s13+$0x240]  }
0xc6: {  	[tilespmem:s13+$0x8220] =	vst v4;
	v4 =	vld [tilespmem:s13+$0x2C0]  }
.Ltmp2:
0xc7: {  	[tilespmem:s13+$0x82A0] =	vst v0;
	v0 =	vld [tilespmem:s13+$0x250];
	(pc) =	sbr.rel @p0 .LBB2_6-.Ltmp2, $4  }
0xc8: {  	[tilespmem:s13+$0x8230] =	vst v1;
	v1 =	vld [tilespmem:s13+$0x2D0]  }
0xc9: {  	[tilespmem:s13+$0x82B0] =	vst v2;
	v2 =	vld [tilespmem:s13+$0x260]  }
0xca: {  	[tilespmem:s13+$0x8240] =	vst v3;
	v3 =	vld [tilespmem:s13+$0x2E0]  }
0xcb: {  	s14 =	sshra.s32 s4, $0x2;
	s4 =	sadd.s32 $0x400, s4;
	[tilespmem:s13+$0x82C0] =	vst v4;
	v4 =	vld [tilespmem:s13+$0x270]  }
0xcc: {  	v5 =	vld [tilespmem:s14+$0x2F0];
	[tilespmem:s13+$0x8250] =	vst v0  }
0xcd: {  	v0 =	vld [tilespmem:s14+$0x200];
	[tilespmem:s13+$0x82D0] =	vst v1  }
0xce: {  	v1 =	vld [tilespmem:s14+$0x280];
	[tilespmem:s13+$0x8260] =	vst v2  }
0xcf: {  	v2 =	vld [tilespmem:s14+$0x210];
	[tilespmem:s13+$0x82E0] =	vst v3  }
0xd0: {  	v3 =	vld [tilespmem:s14+$0x290];
	[tilespmem:s13+$0x8270] =	vst v4  }
0xd1: {  	v4 =	vld [tilespmem:s14+$0x220];
	[tilespmem:s14+$0x82F0] =	vst v5  }
0xd2: {  	v54 =	vld [tilespmem:s14+$0x2A0];
	[tilespmem:s14+$0x8200] =	vst v0  }
0xd3: {  	v55 =	vld [tilespmem:s14+$0x230];
	[tilespmem:s14+$0x8280] =	vst v1  }
0xd4: {  	v56 =	vld [tilespmem:s14+$0x2B0];
	[tilespmem:s14+$0x8210] =	vst v2  }
0xd5: {  	v57 =	vld [tilespmem:s14+$0x240];
	[tilespmem:s14+$0x8290] =	vst v3  }
0xd6: {  	v58 =	vld [tilespmem:s14+$0x2C0];
	[tilespmem:s14+$0x8220] =	vst v4  }
0xd7: {  	v59 =	vld [tilespmem:s14+$0x250];
	[tilespmem:s14+$0x82A0] =	vst v54  }
0xd8: {  	v60 =	vld [tilespmem:s14+$0x2D0];
	[tilespmem:s14+$0x8230] =	vst v55  }
0xd9: {  	v61 =	vld [tilespmem:s14+$0x260];
	[tilespmem:s14+$0x82B0] =	vst v56  }
0xda: {  	v62 =	vld [tilespmem:s14+$0x2E0];
	[tilespmem:s14+$0x8240] =	vst v57  }
0xdb: {  	v63 =	vld [tilespmem:s14+$0x270];
	[tilespmem:s14+$0x82C0] =	vst v58  }
0xdc: {  	[tilespmem:s14+$0x8250] =	vst v59  }
0xdd: {  	[tilespmem:s14+$0x82D0] =	vst v60  }
0xde: {  	[tilespmem:s14+$0x8260] =	vst v61  }
0xdf: {  	[tilespmem:s14+$0x82E0] =	vst v62  }
0xe0: {  	[tilespmem:s14+$0x8270] =	vst v63;
	s14 =	simm.s32 $0x180  }
0xe1: {  	[tilespmem:s30], [sflag:$0x7] =	stream.indirect.gather.add.f32 [hbm:s1], $0x80, s14, s26, $0xb8;
	[tilespmem:$0xA200] =	vst v63  }
0xe2: {  	s4 =	simm.s32 $0x1A0  }
0xe3: {  	[tilespmem:s0], [sflag:$0x8] =	stream.indirect.gather.add.f32 [hbm:s1], $0x80, s4, s26, $0xb8;
	[tilespmem:$0xA200] =	vst v63  }
0xe4: {  	_ =	swait.ge [sflag:s5], $0x1000  }
0xe5: {  	[sflag:s5] =	ssyncset.done $0x0  }
0xe6: {  	[sflag:s5] =	ssyncadd.s32 $0xFFFFF000  }
0xe7: {  	[hbm4b:s9+s3] =	stream.linear.scatter [tilespmem:s22], [sflag:$0xB], $0x1000, $0x38;
	[tilespmem:$0xA200] =	vst v63  }
0xe8: {  	_ =	swait.ge [sflag:s6], $0x1000  }
0xe9: {  	[sflag:s6] =	ssyncset.done $0x0  }
0xea: {  	s13 =	rddreg [dreg:$0x9];
	[sflag:s6] =	ssyncadd.s32 $0xFFFFF000  }
0xeb: {  	[hbm4b:s13+s3] =	stream.linear.scatter [tilespmem:s28], [sflag:$0xB], $0x1000, $0x38;
	[tilespmem:$0xA200] =	vst v63  }
0xec: {  	_ =	swait.ge [sflag:s7], $0x1000  }
0xed: {  	[sflag:s7] =	ssyncset.done $0x0  }
0xee: {  	s13 =	rddreg [dreg:$0xa];
	[sflag:s7] =	ssyncadd.s32 $0xFFFFF000  }
0xef: {  	[hbm4b:s13+s3] =	stream.linear.scatter [tilespmem:s29], [sflag:$0xB], $0x1000, $0x38;
	[tilespmem:$0xA200] =	vst v63  }
0xf0: {  	_ =	swait.ge [sflag:s10], $0x1000  }
0xf1: {  	[sflag:s10] =	ssyncset.done $0x0  }
0xf2: {  	s13 =	rddreg [dreg:$0xb];
	[sflag:s10] =	ssyncadd.s32 $0xFFFFF000  }
0xf3: {  	[hbm4b:s13+s3] =	stream.linear.scatter [tilespmem:s31], [sflag:$0xB], $0x1000, $0x38;
	[tilespmem:$0xA200] =	vst v63  }
0xf4: {  	_ =	swait.ge [sflag:s18], $0x1000  }
0xf5: {  	[sflag:s18] =	ssyncset.done $0x0  }
0xf6: {  	s13 =	rddreg [dreg:$0xc];
	[sflag:s18] =	ssyncadd.s32 $0xFFFFF000  }
0xf7: {  	[hbm4b:s13+s3] =	stream.linear.scatter [tilespmem:s2], [sflag:$0xB], $0x1000, $0x38;
	[tilespmem:$0xA200] =	vst v63  }
0xf8: {  	_ =	swait.ge [sflag:s11], $0x1000  }
0xf9: {  	[sflag:s11] =	ssyncset.done $0x0  }
0xfa: {  	s13 =	rddreg [dreg:$0xd];
	[sflag:s11] =	ssyncadd.s32 $0xFFFFF000  }
0xfb: {  	[hbm4b:s13+s3] =	stream.linear.scatter [tilespmem:s21], [sflag:$0xB], $0x1000, $0x38;
	[tilespmem:$0xA200] =	vst v63  }
0xfc: {  	_ =	swait.ge [sflag:s19], $0x1000  }
0xfd: {  	[sflag:s19] =	ssyncset.done $0x0  }
0xfe: {  	[sflag:s19] =	ssyncadd.s32 $0xFFFFF000  }
0xff: {  	[hbm4b:s15+s3] =	stream.linear.scatter [tilespmem:s30], [sflag:$0xB], $0x1000, $0x38;
	[tilespmem:$0xA200] =	vst v63  }
0x100: {  	_ =	swait.ge [sflag:s12], $0x1000  }
0x101: {  	[sflag:s12] =	ssyncset.done $0x0  }
0x102: {  	[sflag:s12] =	ssyncadd.s32 $0xFFFFF000  }
0x103: {  	[hbm4b:s16+s3] =	stream.linear.scatter [tilespmem:s0], [sflag:$0xB], $0x1000, $0x38;
	[tilespmem:$0xA200] =	vst v63  }
0x104: {  	_ =	swait.ge [sflag:s23], $0x1000  }
0x105: {  	[sflag:s23] =	ssyncset.done $0x0  }
0x106: {  	[sflag:s23] =	ssyncadd.s32 $0xFFFFF000  }
0x107: {  	_ =	swait.ge [sflag:s23], $0x1000  }
0x108: {  	[sflag:s23] =	ssyncset.done $0x0  }
0x109: {  	[sflag:s23] =	ssyncadd.s32 $0xFFFFF000  }
0x10a: {  	_ =	swait.ge [sflag:s23], $0x1000  }
0x10b: {  	[sflag:s23] =	ssyncset.done $0x0  }
0x10c: {  	[sflag:s23] =	ssyncadd.s32 $0xFFFFF000  }
0x10d: {  	_ =	swait.ge [sflag:s23], $0x1000  }
0x10e: {  	[sflag:s23] =	ssyncset.done $0x0  }
0x10f: {  	[sflag:s23] =	ssyncadd.s32 $0xFFFFF000  }
0x110: {  	_ =	swait.ge [sflag:s23], $0x1000  }
0x111: {  	[sflag:s23] =	ssyncset.done $0x0  }
0x112: {  	[sflag:s23] =	ssyncadd.s32 $0xFFFFF000  }
0x113: {  	_ =	swait.ge [sflag:s23], $0x1000  }
0x114: {  	[sflag:s23] =	ssyncset.done $0x0  }
0x115: {  	s20 =	sadd.s32 $0x1, s20;
	[sflag:s23] =	ssyncadd.s32 $0xFFFFF000  }
0x116: {  	p0 =	sne.s32 s20, s17;
	_ =	swait.ge [sflag:s23], $0x1000  }
.Ltmp3:
0x117: {  	[sflag:s23] =	ssyncset.done $0x0;
	(pc) =	sbr.rel @p0 .LBB2_1-.Ltmp3, $4  }
0x118: {  	[sflag:s23] =	ssyncadd.s32 $0xFFFFF000  }
0x119: {  	_ =	swait.ge [sflag:s23], $0x1000  }
0x11a: {  	[sflag:s23] =	ssyncset.done $0x0  }
0x11b: {  	[sflag:s23] =	ssyncadd.s32 $0xFFFFF000  }
0x11c: {  	_ =	sfence.sel $0x180000  }
0x11d: {  	[bflag:$0x0] =	sbarrier.arrive $0xFFFF  }
0x11e: {  	_ =	strace $0x90000047  }
0x11f: {  	s0 =	stileid.u32;
	[bflag:$0x2] =	sbarrier.arrive $0xFFFF  }
0x120: {  	p0 =	sne.s32 s0, $0x0;
	s0 =	rddreg [dreg:$0x4]  }
0x121: {  	s0 =	sadd.s32 @!p0 $0x100000, s0  }
0x122: {  	[sflag:s0] =	ssyncadd.tile.s32 @!p0 $0x1;
	_ =	shalt  }
.Lfunc_end2:
_tile_overlayer_lowered:
.L_overlay_start_2:
0x123: {  	(tag) =	ssettag $0x2  }
0x124: {  	s0 =	rddreg [dreg:$0x0];
	s2 =	stileid.u32  }
0x125: {  	s1 =	rddreg [dreg:$0x1];
	p0 =	sne.s32 s2, $0x0  }
0x126: {  	s3 =	rddreg [dreg:$0x2];
	[bflag:$0x3] =	sbarrier.arrive $0xFFFF;
	s2 =	simm.s32 @!p0 $0x1C0C  }
0x127: {  	[timem:s3], [sflag:s2] =	dma.local @!p0 [hbm:s0], s1  }
0x128: {  	s0 =	simm.s32 @!p0 $0xC  }
0x129: {  	_ =	swait.ge @!p0 [sflag:s0], s1  }
0x12a: {  	s1 =	ssub.s32 @!p0 $0x0, s1;
	[sflag:s0] =	ssyncset.done @!p0 $0x0  }
0x12b: {  	[sflag:s0] =	ssyncadd.s32 @!p0 s1  }
0x12c: {  	[bflag:$0x3] =	sbarrier.arrive $0xFFFF  }
0x12d: {  	_ =	shalt  }

</sc_bundles>
